<compile_context>
chip_gen: v7x
topology: tpu7x:2x2x1
jax: 0.10.2.dev20260603
libtpu: 0.0.44.dev20260713+nightly
codegen_flags: <defaults>
</compile_context>

<pallas_src>
import functools

import jax
import jax.numpy as jnp
from jax import lax
from jax.experimental import pallas as pl
from jax.experimental.pallas import tpu as pltpu
from jax.experimental.pallas import tpu_sc as plsc

_LANES = 16


@functools.lru_cache(maxsize=None)
def _build_gather(B, N, K, D, KP):
    info = plsc.get_sparse_core_info()
    NC, NS = info.num_cores, info.num_subcores
    NW = NC * NS
    ND = 16
    assert D % ND == 0
    DW = D // ND
    ntask = K * ND
    assert ntask % NW == 0
    tpw = ntask // NW
    NB = 6
    SKEW = 3

    mesh = plsc.VectorSubcoreMesh(core_axis_name="c", subcore_axis_name="s")

    @functools.partial(
        pl.kernel,
        mesh=mesh,
        compiler_params=pltpu.CompilerParams(
            use_tc_tiling_on_sc=True, needs_layout_passes=False
        ),
        out_type=jax.ShapeDtypeStruct((K, D, B), jnp.float32),
        scratch_types=[
            pltpu.VMEM((KP,), jnp.int32),
            pltpu.VMEM((NB, 1, DW, B), jnp.float32),
            pltpu.SemaphoreType.DMA((NB,)),
            pltpu.SemaphoreType.DMA((NB,)),
        ],
    )
    def gather_kernel(tt_hbm, idx_hbm, out_hbm, idx_v, bufs, gsem, wsem):
        wid = lax.axis_index("s") * NC + lax.axis_index("c")
        pltpu.sync_copy(idx_hbm, idx_v.at[pl.ds(0, K)])
        lane = lax.iota(jnp.int32, _LANES)

        reads = [None] * tpw
        writes = [None] * tpw
        dsts = [None] * tpw
        for s in range(tpw + SKEW):
            if s < tpw:
                slot = s % NB
                if s >= NB:
                    writes[s - NB].wait()
                g = wid * tpw + s
                j = lax.div(g, ND)
                dp = g - j * ND
                c = lax.div(j, _LANES)
                vec = idx_v[pl.ds(c * _LANES, _LANES)]
                ij = jnp.sum(jnp.where(lane == (j - c * _LANES), vec, 0))
                dsts[s] = (j, dp)
                reads[s] = pltpu.async_copy(
                    tt_hbm.at[pl.ds(ij, 1), pl.ds(dp * DW, DW)],
                    bufs.at[slot],
                    gsem.at[slot],
                )
            w = s - SKEW
            if w >= 0:
                reads[w].wait()
                j, dp = dsts[w]
                writes[w] = pltpu.async_copy(
                    bufs.at[w % NB],
                    out_hbm.at[pl.ds(j, 1), pl.ds(dp * DW, DW)],
                    wsem.at[w % NB],
                )
        for w in range(max(0, tpw - NB), tpw):
            writes[w].wait()

    return gather_kernel


def kernel(tensor, indices):
    B, N, D = tensor.shape
    K = indices.shape[0]
    KP = (K + _LANES - 1) // _LANES * _LANES
    idx32 = indices.astype(jnp.int32)
    tt = jnp.transpose(tensor, (1, 2, 0))
    out_t = _build_gather(B, N, K, D, KP)(tt, idx32)
    return jnp.transpose(out_t, (2, 0, 1))

# --- scband reference (transcript-rebuilt; emitter-appended) ---
"""Pipeline reference for scband-index-52561809768982 (READ-ONLY COPY).

The authoritative reference and input builder live on the scoring server;
editing this copy changes nothing except your own understanding.
"""

import jax, jax.numpy as jnp
import numpy as np

INDICES = [0, 2, 5, 7, 11, 13, 17, 19, 23, 29, 31, 37, 41, 43, 47, 53, 59, 61, 67, 71, 73, 79, 83, 89, 97, 99]


def setup_inputs(seed: int = 0) -> dict:
    key = jax.random.key(seed)
    tensor = jax.random.normal(key, (4096, 100, 64), dtype=jnp.float32)
    indices = jnp.array(INDICES, dtype=jnp.int64)
    return {"tensor": tensor, "indices": indices}


def reference(tensor, indices):
    # torch.index_select(input=tensor, index=indices, dim=1)
    return jnp.take(tensor, indices, axis=1)

if __name__ == "__main__":
    import jax
    _d = setup_inputs()
    print(jax.jit(kernel)(*tuple(_d.values())))

</pallas_src>

<mosaic_0001>
#map = affine_map<(d0, d1) -> (0, 0, 0)>
#map1 = affine_map<(d0, d1) -> (0)>
module attributes {stable_mosaic.version = 14 : i64} {
  func.func @gather_kernel(%arg0: i32, %arg1: i32, %arg2: memref<100x64x4096xf32, #tpu.memory_space<hbm>>, %arg3: memref<26xi32, #tpu.memory_space<hbm>>, %arg4: memref<26x64x4096xf32, #tpu.memory_space<hbm>>, %arg5: memref<32xi32, #tpu.memory_space<vmem>>, %arg6: memref<6x1x4x4096xf32, #tpu.memory_space<vmem>>, %arg7: memref<6x!tpu.dma_semaphore, #tpu.memory_space<semaphore_mem>>, %arg8: memref<6x!tpu.dma_semaphore, #tpu.memory_space<semaphore_mem>>) attributes {dimension_semantics = [#tpu.dimension_semantics<core_parallel>, #tpu.dimension_semantics<subcore_parallel>], iteration_bounds = array<i64: 2, 16>, scalar_prefetch = 0 : i64, scratch_operands = 4 : i64, tpu.core_type = #tpu.core_type<sc_vector_subcore>, window_params = [{transform_indices = #map}, {transform_indices = #map1}, {transform_indices = #map}]} {
    %mul3A = arith.constant 2 : i32
    %mul3A_0 = arith.muli %arg1, %mul3A : i32
    %add3A = arith.addi %mul3A_0, %arg0 : i32
    "tpu.region"() ({
      %run_scoped3A = tpu.sem_alloc : memref<!tpu.dma_semaphore, #tpu.memory_space<semaphore_mem>>
      %dma_start3A_1330 = arith.constant 0 : i32
      %dma_start3A_1331 = tpu.memref_slice %arg5[%dma_start3A_1330] : memref<32xi32, #tpu.memory_space<vmem>> -> memref<26xi32, #tpu.memory_space<vmem>>
      %dma_start3A_1332 = arith.constant 0 : i32
      %dma_start3A_1333 = tpu.memref_slice %arg5[%dma_start3A_1332] : memref<32xi32, #tpu.memory_space<vmem>> -> memref<26xi32, #tpu.memory_space<vmem>>
      tpu.enqueue_dma source(%arg3 : memref<26xi32, #tpu.memory_space<hbm>>) target(%dma_start3A_1333 : memref<26xi32, #tpu.memory_space<vmem>>) target_semaphore(%run_scoped3A : memref<!tpu.dma_semaphore, #tpu.memory_space<semaphore_mem>>)
      %dma_wait3A_1334 = arith.constant 0 : i32
      %dma_wait3A_1335 = tpu.memref_slice %arg5[%dma_wait3A_1334] : memref<32xi32, #tpu.memory_space<vmem>> -> memref<26xi32, #tpu.memory_space<vmem>>
      %dma_wait3A_1336 = arith.constant 0 : i32
      %dma_wait3A_1337 = tpu.memref_slice %arg5[%dma_wait3A_1336] : memref<32xi32, #tpu.memory_space<vmem>> -> memref<26xi32, #tpu.memory_space<vmem>>
      tpu.wait_dma2 semaphore(%run_scoped3A : memref<!tpu.dma_semaphore, #tpu.memory_space<semaphore_mem>>) src(%arg3 : memref<26xi32, #tpu.memory_space<hbm>>) dst(%dma_wait3A_1337 : memref<26xi32, #tpu.memory_space<vmem>>)
      tpu.yield
    }) : () -> ()
    %iota3A = tpu.iota {dimensions = array<i32: 0>} : vector<16xi32>
    %mul3A_1 = arith.constant 13 : i32
    %mul3A_2 = arith.muli %add3A, %mul3A_1 : i32
    %add3A_3 = arith.constant 0 : i32
    %add3A_4 = arith.addi %mul3A_2, %add3A_3 : i32
    %div3A = arith.constant 16 : i32
    %div3A_5 = arith.divsi %add3A_4, %div3A : i32
    %mul3A_6 = arith.constant 16 : i32
    %mul3A_7 = arith.muli %div3A_5, %mul3A_6 : i32
    %sub3A = arith.subi %add3A_4, %mul3A_7 : i32
    %div3A_8 = arith.constant 16 : i32
    %div3A_9 = arith.divsi %div3A_5, %div3A_8 : i32
    %mul3A_10 = arith.constant 16 : i32
    %mul3A_11 = arith.muli %div3A_9, %mul3A_10 : i32
    %get3A = arith.index_cast %mul3A_11 : i32 to index
    %get3A_12 = tpu.vector_load %arg5[%get3A] {strides = array<i32>} : memref<32xi32, #tpu.memory_space<vmem>>, vector<16xi32>,
    %mul3A_13 = arith.constant 16 : i32
    %mul3A_14 = arith.muli %div3A_9, %mul3A_13 : i32
    %sub3A_15 = arith.subi %div3A_5, %mul3A_14 : i32
    %eq3A = vector.broadcast %sub3A_15 : i32 to vector<16xi32>
    %eq3A_16 = arith.cmpi eq, %iota3A, %eq3A : vector<16xi32>
    %jit3A = arith.constant 0 : i32
    %broadcast_in_dim3A = vector.broadcast %jit3A : i32 to vector<16xi32>
    %select_n3A = arith.select %eq3A_16, %get3A_12, %broadcast_in_dim3A : vector<16xi1>, vector<16xi32>
    %reduce_sum3A = arith.constant true
    %reduce_sum3A_17 = vector.broadcast %reduce_sum3A : i1 to vector<16xi1>
    %reduce_sum3A_18 = tpu.scan <sum>, %select_n3A masked %reduce_sum3A_17 : vector<16xi32>, vector<16xi1> -> vector<16xi32>
    %reduce_sum3A_19 = vector.extract %reduce_sum3A_18[15] : i32 from vector<16xi32>
    %mul3A_20 = arith.constant 4 : i32
    %mul3A_21 = arith.muli %sub3A, %mul3A_20 : i32
    %dma_start3A = arith.constant 0 : i32
    %dma_start3A_22 = arith.constant 0 : i32
    %dma_start3A_23 = arith.constant 0 : i32
    %dma_start3A_24 = arith.constant 0 : i32
    %dma_start3A_25 = arith.constant 0 : i32
    %dma_start3A_26 = tpu.memref_slice %arg6[%dma_start3A, %dma_start3A_23, %dma_start3A_24, %dma_start3A_25] : memref<6x1x4x4096xf32, #tpu.memory_space<vmem>> -> memref<1x1x4x4096xf32, #tpu.memory_space<vmem>>
    %dma_start3A_27 = tpu.memref_squeeze %dma_start3A_26 : memref<1x1x4x4096xf32, #tpu.memory_space<vmem>> -> memref<1x4x4096xf32, #tpu.memory_space<vmem>>
    %dma_start3A_28 = arith.constant 0 : i32
    %dma_start3A_29 = tpu.memref_slice %arg2[%reduce_sum3A_19, %mul3A_21, %dma_start3A_28] : memref<100x64x4096xf32, #tpu.memory_space<hbm>> -> memref<1x4x4096xf32, #tpu.memory_space<hbm>>
    %dma_start3A_30 = tpu.memref_slice %arg7[%dma_start3A_22] : memref<6x!tpu.dma_semaphore, #tpu.memory_space<semaphore_mem>> -> memref<1x!tpu.dma_semaphore, #tpu.memory_space<semaphore_mem>>
    %dma_start3A_31 = tpu.memref_squeeze %dma_start3A_30 : memref<1x!tpu.dma_semaphore, #tpu.memory_space<semaphore_mem>> -> memref<!tpu.dma_semaphore, #tpu.memory_space<semaphore_mem>>
    %dma_start3A_32 = arith.constant 0 : i32
    %dma_start3A_33 = arith.constant 0 : i32
    %dma_start3A_34 = arith.constant 0 : i32
    %dma_start3A_35 = tpu.memref_slice %arg6[%dma_start3A, %dma_start3A_32, %dma_start3A_33, %dma_start3A_34] : memref<6x1x4x4096xf32, #tpu.memory_space<vmem>> -> memref<1x1x4x4096xf32, #tpu.memory_space<vmem>>
    %dma_start3A_36 = tpu.memref_squeeze %dma_start3A_35 : memref<1x1x4x4096xf32, #tpu.memory_space<vmem>> -> memref<1x4x4096xf32, #tpu.memory_space<vmem>>
    %dma_start3A_37 = arith.constant 0 : i32
    %dma_start3A_38 = tpu.memref_slice %arg2[%reduce_sum3A_19, %mul3A_21, %dma_start3A_37] : memref<100x64x4096xf32, #tpu.memory_space<hbm>> -> memref<1x4x4096xf32, #tpu.memory_space<hbm>>
    tpu.enqueue_dma source(%dma_start3A_38 : memref<1x4x4096xf32, #tpu.memory_space<hbm>>) target(%dma_start3A_36 : memref<1x4x4096xf32, #tpu.memory_space<vmem>>) target_semaphore(%dma_start3A_31 : memref<!tpu.dma_semaphore, #tpu.memory_space<semaphore_mem>>)
    %mul3A_39 = arith.constant 13 : i32
    %mul3A_40 = arith.muli %add3A, %mul3A_39 : i32
    %add3A_41 = arith.constant 1 : i32
    %add3A_42 = arith.addi %mul3A_40, %add3A_41 : i32
    %div3A_43 = arith.constant 16 : i32
    %div3A_44 = arith.divsi %add3A_42, %div3A_43 : i32
    %mul3A_45 = arith.constant 16 : i32
    %mul3A_46 = arith.muli %div3A_44, %mul3A_45 : i32
    %sub3A_47 = arith.subi %add3A_42, %mul3A_46 : i32
    %div3A_48 = arith.constant 16 : i32
    %div3A_49 = arith.divsi %div3A_44, %div3A_48 : i32
    %mul3A_50 = arith.constant 16 : i32
    %mul3A_51 = arith.muli %div3A_49, %mul3A_50 : i32
    %get3A_52 = arith.index_cast %mul3A_51 : i32 to index
    %get3A_53 = tpu.vector_load %arg5[%get3A_52] {strides = array<i32>} : memref<32xi32, #tpu.memory_space<vmem>>, vector<16xi32>,
    %mul3A_54 = arith.constant 16 : i32
    %mul3A_55 = arith.muli %div3A_49, %mul3A_54 : i32
    %sub3A_56 = arith.subi %div3A_44, %mul3A_55 : i32
    %eq3A_57 = vector.broadcast %sub3A_56 : i32 to vector<16xi32>
    %eq3A_58 = arith.cmpi eq, %iota3A, %eq3A_57 : vector<16xi32>
    %jit3A_59 = arith.constant 0 : i32
    %broadcast_in_dim3A_60 = vector.broadcast %jit3A_59 : i32 to vector<16xi32>
    %select_n3A_61 = arith.select %eq3A_58, %get3A_53, %broadcast_in_dim3A_60 : vector<16xi1>, vector<16xi32>
    %reduce_sum3A_62 = arith.constant true
    %reduce_sum3A_63 = vector.broadcast %reduce_sum3A_62 : i1 to vector<16xi1>
    %reduce_sum3A_64 = tpu.scan <sum>, %select_n3A_61 masked %reduce_sum3A_63 : vector<16xi32>, vector<16xi1> -> vector<16xi32>
    %reduce_sum3A_65 = vector.extract %reduce_sum3A_64[15] : i32 from vector<16xi32>
    %mul3A_66 = arith.constant 4 : i32
    %mul3A_67 = arith.muli %sub3A_47, %mul3A_66 : i32
    %dma_start3A_68 = arith.constant 1 : i32
    %dma_start3A_69 = arith.constant 1 : i32
    %dma_start3A_70 = arith.constant 0 : i32
    %dma_start3A_71 = arith.constant 0 : i32
    %dma_start3A_72 = arith.constant 0 : i32
    %dma_start3A_73 = tpu.memref_slice %arg6[%dma_start3A_68, %dma_start3A_70, %dma_start3A_71, %dma_start3A_72] : memref<6x1x4x4096xf32, #tpu.memory_space<vmem>> -> memref<1x1x4x4096xf32, #tpu.memory_space<vmem>>
    %dma_start3A_74 = tpu.memref_squeeze %dma_start3A_73 : memref<1x1x4x4096xf32, #tpu.memory_space<vmem>> -> memref<1x4x4096xf32, #tpu.memory_space<vmem>>
    %dma_start3A_75 = arith.constant 0 : i32
    %dma_start3A_76 = tpu.memref_slice %arg2[%reduce_sum3A_65, %mul3A_67, %dma_start3A_75] : memref<100x64x4096xf32, #tpu.memory_space<hbm>> -> memref<1x4x4096xf32, #tpu.memory_space<hbm>>
    %dma_start3A_77 = tpu.memref_slice %arg7[%dma_start3A_69] : memref<6x!tpu.dma_semaphore, #tpu.memory_space<semaphore_mem>> -> memref<1x!tpu.dma_semaphore, #tpu.memory_space<semaphore_mem>>
    %dma_start3A_78 = tpu.memref_squeeze %dma_start3A_77 : memref<1x!tpu.dma_semaphore, #tpu.memory_space<semaphore_mem>> -> memref<!tpu.dma_semaphore, #tpu.memory_space<semaphore_mem>>
    %dma_start3A_79 = arith.constant 0 : i32
    %dma_start3A_80 = arith.constant 0 : i32
    %dma_start3A_81 = arith.constant 0 : i32
    %dma_start3A_82 = tpu.memref_slice %arg6[%dma_start3A_68, %dma_start3A_79, %dma_start3A_80, %dma_start3A_81] : memref<6x1x4x4096xf32, #tpu.memory_space<vmem>> -> memref<1x1x4x4096xf32, #tpu.memory_space<vmem>>
    %dma_start3A_83 = tpu.memref_squeeze %dma_start3A_82 : memref<1x1x4x4096xf32, #tpu.memory_space<vmem>> -> memref<1x4x4096xf32, #tpu.memory_space<vmem>>
    %dma_start3A_84 = arith.constant 0 : i32
    %dma_start3A_85 = tpu.memref_slice %arg2[%reduce_sum3A_65, %mul3A_67, %dma_start3A_84] : memref<100x64x4096xf32, #tpu.memory_space<hbm>> -> memref<1x4x4096xf32, #tpu.memory_space<hbm>>
    tpu.enqueue_dma source(%dma_start3A_85 : memref<1x4x4096xf32, #tpu.memory_space<hbm>>) target(%dma_start3A_83 : memref<1x4x4096xf32, #tpu.memory_space<vmem>>) target_semaphore(%dma_start3A_78 : memref<!tpu.dma_semaphore, #tpu.memory_space<semaphore_mem>>)
    %mul3A_86 = arith.constant 13 : i32
    %mul3A_87 = arith.muli %add3A, %mul3A_86 : i32
    %add3A_88 = arith.constant 2 : i32
    %add3A_89 = arith.addi %mul3A_87, %add3A_88 : i32
    %div3A_90 = arith.constant 16 : i32
    %div3A_91 = arith.divsi %add3A_89, %div3A_90 : i32
    %mul3A_92 = arith.constant 16 : i32
    %mul3A_93 = arith.muli %div3A_91, %mul3A_92 : i32
    %sub3A_94 = arith.subi %add3A_89, %mul3A_93 : i32
    %div3A_95 = arith.constant 16 : i32
    %div3A_96 = arith.divsi %div3A_91, %div3A_95 : i32
    %mul3A_97 = arith.constant 16 : i32
    %mul3A_98 = arith.muli %div3A_96, %mul3A_97 : i32
    %get3A_99 = arith.index_cast %mul3A_98 : i32 to index
    %get3A_100 = tpu.vector_load %arg5[%get3A_99] {strides = array<i32>} : memref<32xi32, #tpu.memory_space<vmem>>, vector<16xi32>,
    %mul3A_101 = arith.constant 16 : i32
    %mul3A_102 = arith.muli %div3A_96, %mul3A_101 : i32
    %sub3A_103 = arith.subi %div3A_91, %mul3A_102 : i32
    %eq3A_104 = vector.broadcast %sub3A_103 : i32 to vector<16xi32>
    %eq3A_105 = arith.cmpi eq, %iota3A, %eq3A_104 : vector<16xi32>
    %jit3A_106 = arith.constant 0 : i32
    %broadcast_in_dim3A_107 = vector.broadcast %jit3A_106 : i32 to vector<16xi32>
    %select_n3A_108 = arith.select %eq3A_105, %get3A_100, %broadcast_in_dim3A_107 : vector<16xi1>, vector<16xi32>
    %reduce_sum3A_109 = arith.constant true
    %reduce_sum3A_110 = vector.broadcast %reduce_sum3A_109 : i1 to vector<16xi1>
    %reduce_sum3A_111 = tpu.scan <sum>, %select_n3A_108 masked %reduce_sum3A_110 : vector<16xi32>, vector<16xi1> -> vector<16xi32>
    %reduce_sum3A_112 = vector.extract %reduce_sum3A_111[15] : i32 from vector<16xi32>
    %mul3A_113 = arith.constant 4 : i32
    %mul3A_114 = arith.muli %sub3A_94, %mul3A_113 : i32
    %dma_start3A_115 = arith.constant 2 : i32
    %dma_start3A_116 = arith.constant 2 : i32
    %dma_start3A_117 = arith.constant 0 : i32
    %dma_start3A_118 = arith.constant 0 : i32
    %dma_start3A_119 = arith.constant 0 : i32
    %dma_start3A_120 = tpu.memref_slice %arg6[%dma_start3A_115, %dma_start3A_117, %dma_start3A_118, %dma_start3A_119] : memref<6x1x4x4096xf32, #tpu.memory_space<vmem>> -> memref<1x1x4x4096xf32, #tpu.memory_space<vmem>>
    %dma_start3A_121 = tpu.memref_squeeze %dma_start3A_120 : memref<1x1x4x4096xf32, #tpu.memory_space<vmem>> -> memref<1x4x4096xf32, #tpu.memory_space<vmem>>
    %dma_start3A_122 = arith.constant 0 : i32
    %dma_start3A_123 = tpu.memref_slice %arg2[%reduce_sum3A_112, %mul3A_114, %dma_start3A_122] : memref<100x64x4096xf32, #tpu.memory_space<hbm>> -> memref<1x4x4096xf32, #tpu.memory_space<hbm>>
    %dma_start3A_124 = tpu.memref_slice %arg7[%dma_start3A_116] : memref<6x!tpu.dma_semaphore, #tpu.memory_space<semaphore_mem>> -> memref<1x!tpu.dma_semaphore, #tpu.memory_space<semaphore_mem>>
    %dma_start3A_125 = tpu.memref_squeeze %dma_start3A_124 : memref<1x!tpu.dma_semaphore, #tpu.memory_space<semaphore_mem>> -> memref<!tpu.dma_semaphore, #tpu.memory_space<semaphore_mem>>
    %dma_start3A_126 = arith.constant 0 : i32
    %dma_start3A_127 = arith.constant 0 : i32
    %dma_start3A_128 = arith.constant 0 : i32
    %dma_start3A_129 = tpu.memref_slice %arg6[%dma_start3A_115, %dma_start3A_126, %dma_start3A_127, %dma_start3A_128] : memref<6x1x4x4096xf32, #tpu.memory_space<vmem>> -> memref<1x1x4x4096xf32, #tpu.memory_space<vmem>>
    %dma_start3A_130 = tpu.memref_squeeze %dma_start3A_129 : memref<1x1x4x4096xf32, #tpu.memory_space<vmem>> -> memref<1x4x4096xf32, #tpu.memory_space<vmem>>
    %dma_start3A_131 = arith.constant 0 : i32
    %dma_start3A_132 = tpu.memref_slice %arg2[%reduce_sum3A_112, %mul3A_114, %dma_start3A_131] : memref<100x64x4096xf32, #tpu.memory_space<hbm>> -> memref<1x4x4096xf32, #tpu.memory_space<hbm>>
    tpu.enqueue_dma source(%dma_start3A_132 : memref<1x4x4096xf32, #tpu.memory_space<hbm>>) target(%dma_start3A_130 : memref<1x4x4096xf32, #tpu.memory_space<vmem>>) target_semaphore(%dma_start3A_125 : memref<!tpu.dma_semaphore, #tpu.memory_space<semaphore_mem>>)
    %mul3A_133 = arith.constant 13 : i32
    %mul3A_134 = arith.muli %add3A, %mul3A_133 : i32
    %add3A_135 = arith.constant 3 : i32
    %add3A_136 = arith.addi %mul3A_134, %add3A_135 : i32
    %div3A_137 = arith.constant 16 : i32
    %div3A_138 = arith.divsi %add3A_136, %div3A_137 : i32
    %mul3A_139 = arith.constant 16 : i32
    %mul3A_140 = arith.muli %div3A_138, %mul3A_139 : i32
    %sub3A_141 = arith.subi %add3A_136, %mul3A_140 : i32
    %div3A_142 = arith.constant 16 : i32
    %div3A_143 = arith.divsi %div3A_138, %div3A_142 : i32
    %mul3A_144 = arith.constant 16 : i32
    %mul3A_145 = arith.muli %div3A_143, %mul3A_144 : i32
    %get3A_146 = arith.index_cast %mul3A_145 : i32 to index
    %get3A_147 = tpu.vector_load %arg5[%get3A_146] {strides = array<i32>} : memref<32xi32, #tpu.memory_space<vmem>>, vector<16xi32>,
    %mul3A_148 = arith.constant 16 : i32
    %mul3A_149 = arith.muli %div3A_143, %mul3A_148 : i32
    %sub3A_150 = arith.subi %div3A_138, %mul3A_149 : i32
    %eq3A_151 = vector.broadcast %sub3A_150 : i32 to vector<16xi32>
    %eq3A_152 = arith.cmpi eq, %iota3A, %eq3A_151 : vector<16xi32>
    %jit3A_153 = arith.constant 0 : i32
    %broadcast_in_dim3A_154 = vector.broadcast %jit3A_153 : i32 to vector<16xi32>
    %select_n3A_155 = arith.select %eq3A_152, %get3A_147, %broadcast_in_dim3A_154 : vector<16xi1>, vector<16xi32>
    %reduce_sum3A_156 = arith.constant true
    %reduce_sum3A_157 = vector.broadcast %reduce_sum3A_156 : i1 to vector<16xi1>
    %reduce_sum3A_158 = tpu.scan <sum>, %select_n3A_155 masked %reduce_sum3A_157 : vector<16xi32>, vector<16xi1> -> vector<16xi32>
    %reduce_sum3A_159 = vector.extract %reduce_sum3A_158[15] : i32 from vector<16xi32>
    %mul3A_160 = arith.constant 4 : i32
    %mul3A_161 = arith.muli %sub3A_141, %mul3A_160 : i32
    %dma_start3A_162 = arith.constant 3 : i32
    %dma_start3A_163 = arith.constant 3 : i32
    %dma_start3A_164 = arith.constant 0 : i32
    %dma_start3A_165 = arith.constant 0 : i32
    %dma_start3A_166 = arith.constant 0 : i32
    %dma_start3A_167 = tpu.memref_slice %arg6[%dma_start3A_162, %dma_start3A_164, %dma_start3A_165, %dma_start3A_166] : memref<6x1x4x4096xf32, #tpu.memory_space<vmem>> -> memref<1x1x4x4096xf32, #tpu.memory_space<vmem>>
    %dma_start3A_168 = tpu.memref_squeeze %dma_start3A_167 : memref<1x1x4x4096xf32, #tpu.memory_space<vmem>> -> memref<1x4x4096xf32, #tpu.memory_space<vmem>>
    %dma_start3A_169 = arith.constant 0 : i32
    %dma_start3A_170 = tpu.memref_slice %arg2[%reduce_sum3A_159, %mul3A_161, %dma_start3A_169] : memref<100x64x4096xf32, #tpu.memory_space<hbm>> -> memref<1x4x4096xf32, #tpu.memory_space<hbm>>
    %dma_start3A_171 = tpu.memref_slice %arg7[%dma_start3A_163] : memref<6x!tpu.dma_semaphore, #tpu.memory_space<semaphore_mem>> -> memref<1x!tpu.dma_semaphore, #tpu.memory_space<semaphore_mem>>
    %dma_start3A_172 = tpu.memref_squeeze %dma_start3A_171 : memref<1x!tpu.dma_semaphore, #tpu.memory_space<semaphore_mem>> -> memref<!tpu.dma_semaphore, #tpu.memory_space<semaphore_mem>>
    %dma_start3A_173 = arith.constant 0 : i32
    %dma_start3A_174 = arith.constant 0 : i32
    %dma_start3A_175 = arith.constant 0 : i32
    %dma_start3A_176 = tpu.memref_slice %arg6[%dma_start3A_162, %dma_start3A_173, %dma_start3A_174, %dma_start3A_175] : memref<6x1x4x4096xf32, #tpu.memory_space<vmem>> -> memref<1x1x4x4096xf32, #tpu.memory_space<vmem>>
    %dma_start3A_177 = tpu.memref_squeeze %dma_start3A_176 : memref<1x1x4x4096xf32, #tpu.memory_space<vmem>> -> memref<1x4x4096xf32, #tpu.memory_space<vmem>>
    %dma_start3A_178 = arith.constant 0 : i32
    %dma_start3A_179 = tpu.memref_slice %arg2[%reduce_sum3A_159, %mul3A_161, %dma_start3A_178] : memref<100x64x4096xf32, #tpu.memory_space<hbm>> -> memref<1x4x4096xf32, #tpu.memory_space<hbm>>
    tpu.enqueue_dma source(%dma_start3A_179 : memref<1x4x4096xf32, #tpu.memory_space<hbm>>) target(%dma_start3A_177 : memref<1x4x4096xf32, #tpu.memory_space<vmem>>) target_semaphore(%dma_start3A_172 : memref<!tpu.dma_semaphore, #tpu.memory_space<semaphore_mem>>)
    %dma_wait3A = arith.constant 0 : i32
    %dma_wait3A_180 = arith.constant 0 : i32
    %dma_wait3A_181 = arith.constant 0 : i32
    %dma_wait3A_182 = arith.constant 0 : i32
    %dma_wait3A_183 = arith.constant 0 : i32
    %dma_wait3A_184 = tpu.memref_slice %arg6[%dma_wait3A, %dma_wait3A_181, %dma_wait3A_182, %dma_wait3A_183] : memref<6x1x4x4096xf32, #tpu.memory_space<vmem>> -> memref<1x1x4x4096xf32, #tpu.memory_space<vmem>>
    %dma_wait3A_185 = tpu.memref_squeeze %dma_wait3A_184 : memref<1x1x4x4096xf32, #tpu.memory_space<vmem>> -> memref<1x4x4096xf32, #tpu.memory_space<vmem>>
    %dma_wait3A_186 = arith.constant 0 : i32
    %dma_wait3A_187 = tpu.memref_slice %arg2[%reduce_sum3A_19, %mul3A_21, %dma_wait3A_186] : memref<100x64x4096xf32, #tpu.memory_space<hbm>> -> memref<1x4x4096xf32, #tpu.memory_space<hbm>>
    %dma_wait3A_188 = tpu.memref_slice %arg7[%dma_wait3A_180] : memref<6x!tpu.dma_semaphore, #tpu.memory_space<semaphore_mem>> -> memref<1x!tpu.dma_semaphore, #tpu.memory_space<semaphore_mem>>
    %dma_wait3A_189 = tpu.memref_squeeze %dma_wait3A_188 : memref<1x!tpu.dma_semaphore, #tpu.memory_space<semaphore_mem>> -> memref<!tpu.dma_semaphore, #tpu.memory_space<semaphore_mem>>
    %dma_wait3A_190 = arith.constant 0 : i32
    %dma_wait3A_191 = arith.constant 0 : i32
    %dma_wait3A_192 = arith.constant 0 : i32
    %dma_wait3A_193 = tpu.memref_slice %arg6[%dma_wait3A, %dma_wait3A_190, %dma_wait3A_191, %dma_wait3A_192] : memref<6x1x4x4096xf32, #tpu.memory_space<vmem>> -> memref<1x1x4x4096xf32, #tpu.memory_space<vmem>>
    %dma_wait3A_194 = tpu.memref_squeeze %dma_wait3A_193 : memref<1x1x4x4096xf32, #tpu.memory_space<vmem>> -> memref<1x4x4096xf32, #tpu.memory_space<vmem>>
    %dma_wait3A_195 = arith.constant 0 : i32
    %dma_wait3A_196 = tpu.memref_slice %arg2[%reduce_sum3A_19, %mul3A_21, %dma_wait3A_195] : memref<100x64x4096xf32, #tpu.memory_space<hbm>> -> memref<1x4x4096xf32, #tpu.memory_space<hbm>>
    tpu.wait_dma2 semaphore(%dma_wait3A_189 : memref<!tpu.dma_semaphore, #tpu.memory_space<semaphore_mem>>) src(%dma_wait3A_196 : memref<1x4x4096xf32, #tpu.memory_space<hbm>>) dst(%dma_wait3A_194 : memref<1x4x4096xf32, #tpu.memory_space<vmem>>)
    %mul3A_197 = arith.constant 4 : i32
    %mul3A_198 = arith.muli %sub3A, %mul3A_197 : i32
    %dma_start3A_199 = arith.constant 0 : i32
    %dma_start3A_200 = arith.constant 0 : i32
    %dma_start3A_201 = arith.constant 0 : i32
    %dma_start3A_202 = arith.constant 0 : i32
    %dma_start3A_203 = arith.constant 0 : i32
    %dma_start3A_204 = tpu.memref_slice %arg6[%dma_start3A_199, %dma_start3A_201, %dma_start3A_202, %dma_start3A_203] : memref<6x1x4x4096xf32, #tpu.memory_space<vmem>> -> memref<1x1x4x4096xf32, #tpu.memory_space<vmem>>
    %dma_start3A_205 = tpu.memref_squeeze %dma_start3A_204 : memref<1x1x4x4096xf32, #tpu.memory_space<vmem>> -> memref<1x4x4096xf32, #tpu.memory_space<vmem>>
    %dma_start3A_206 = arith.constant 0 : i32
    %dma_start3A_207 = tpu.memref_slice %arg4[%div3A_5, %mul3A_198, %dma_start3A_206] : memref<26x64x4096xf32, #tpu.memory_space<hbm>> -> memref<1x4x4096xf32, #tpu.memory_space<hbm>>
    %dma_start3A_208 = tpu.memref_slice %arg8[%dma_start3A_200] : memref<6x!tpu.dma_semaphore, #tpu.memory_space<semaphore_mem>> -> memref<1x!tpu.dma_semaphore, #tpu.memory_space<semaphore_mem>>
    %dma_start3A_209 = tpu.memref_squeeze %dma_start3A_208 : memref<1x!tpu.dma_semaphore, #tpu.memory_space<semaphore_mem>> -> memref<!tpu.dma_semaphore, #tpu.memory_space<semaphore_mem>>
    %dma_start3A_210 = arith.constant 0 : i32
    %dma_start3A_211 = tpu.memref_slice %arg4[%div3A_5, %mul3A_198, %dma_start3A_210] : memref<26x64x4096xf32, #tpu.memory_space<hbm>> -> memref<1x4x4096xf32, #tpu.memory_space<hbm>>
    %dma_start3A_212 = arith.constant 0 : i32
    %dma_start3A_213 = arith.constant 0 : i32
    %dma_start3A_214 = arith.constant 0 : i32
    %dma_start3A_215 = tpu.memref_slice %arg6[%dma_start3A_199, %dma_start3A_212, %dma_start3A_213, %dma_start3A_214] : memref<6x1x4x4096xf32, #tpu.memory_space<vmem>> -> memref<1x1x4x4096xf32, #tpu.memory_space<vmem>>
    %dma_start3A_216 = tpu.memref_squeeze %dma_start3A_215 : memref<1x1x4x4096xf32, #tpu.memory_space<vmem>> -> memref<1x4x4096xf32, #tpu.memory_space<vmem>>
    tpu.enqueue_dma source(%dma_start3A_216 : memref<1x4x4096xf32, #tpu.memory_space<vmem>>) target(%dma_start3A_211 : memref<1x4x4096xf32, #tpu.memory_space<hbm>>) target_semaphore(%dma_start3A_209 : memref<!tpu.dma_semaphore, #tpu.memory_space<semaphore_mem>>)
    %mul3A_217 = arith.constant 13 : i32
    %mul3A_218 = arith.muli %add3A, %mul3A_217 : i32
    %add3A_219 = arith.constant 4 : i32
    %add3A_220 = arith.addi %mul3A_218, %add3A_219 : i32
    %div3A_221 = arith.constant 16 : i32
    %div3A_222 = arith.divsi %add3A_220, %div3A_221 : i32
    %mul3A_223 = arith.constant 16 : i32
    %mul3A_224 = arith.muli %div3A_222, %mul3A_223 : i32
    %sub3A_225 = arith.subi %add3A_220, %mul3A_224 : i32
    %div3A_226 = arith.constant 16 : i32
    %div3A_227 = arith.divsi %div3A_222, %div3A_226 : i32
    %mul3A_228 = arith.constant 16 : i32
    %mul3A_229 = arith.muli %div3A_227, %mul3A_228 : i32
    %get3A_230 = arith.index_cast %mul3A_229 : i32 to index
    %get3A_231 = tpu.vector_load %arg5[%get3A_230] {strides = array<i32>} : memref<32xi32, #tpu.memory_space<vmem>>, vector<16xi32>,
    %mul3A_232 = arith.constant 16 : i32
    %mul3A_233 = arith.muli %div3A_227, %mul3A_232 : i32
    %sub3A_234 = arith.subi %div3A_222, %mul3A_233 : i32
    %eq3A_235 = vector.broadcast %sub3A_234 : i32 to vector<16xi32>
    %eq3A_236 = arith.cmpi eq, %iota3A, %eq3A_235 : vector<16xi32>
    %jit3A_237 = arith.constant 0 : i32
    %broadcast_in_dim3A_238 = vector.broadcast %jit3A_237 : i32 to vector<16xi32>
    %select_n3A_239 = arith.select %eq3A_236, %get3A_231, %broadcast_in_dim3A_238 : vector<16xi1>, vector<16xi32>
    %reduce_sum3A_240 = arith.constant true
    %reduce_sum3A_241 = vector.broadcast %reduce_sum3A_240 : i1 to vector<16xi1>
    %reduce_sum3A_242 = tpu.scan <sum>, %select_n3A_239 masked %reduce_sum3A_241 : vector<16xi32>, vector<16xi1> -> vector<16xi32>
    %reduce_sum3A_243 = vector.extract %reduce_sum3A_242[15] : i32 from vector<16xi32>
    %mul3A_244 = arith.constant 4 : i32
    %mul3A_245 = arith.muli %sub3A_225, %mul3A_244 : i32
    %dma_start3A_246 = arith.constant 4 : i32
    %dma_start3A_247 = arith.constant 4 : i32
    %dma_start3A_248 = arith.constant 0 : i32
    %dma_start3A_249 = arith.constant 0 : i32
    %dma_start3A_250 = arith.constant 0 : i32
    %dma_start3A_251 = tpu.memref_slice %arg6[%dma_start3A_246, %dma_start3A_248, %dma_start3A_249, %dma_start3A_250] : memref<6x1x4x4096xf32, #tpu.memory_space<vmem>> -> memref<1x1x4x4096xf32, #tpu.memory_space<vmem>>
    %dma_start3A_252 = tpu.memref_squeeze %dma_start3A_251 : memref<1x1x4x4096xf32, #tpu.memory_space<vmem>> -> memref<1x4x4096xf32, #tpu.memory_space<vmem>>
    %dma_start3A_253 = arith.constant 0 : i32
    %dma_start3A_254 = tpu.memref_slice %arg2[%reduce_sum3A_243, %mul3A_245, %dma_start3A_253] : memref<100x64x4096xf32, #tpu.memory_space<hbm>> -> memref<1x4x4096xf32, #tpu.memory_space<hbm>>
    %dma_start3A_255 = tpu.memref_slice %arg7[%dma_start3A_247] : memref<6x!tpu.dma_semaphore, #tpu.memory_space<semaphore_mem>> -> memref<1x!tpu.dma_semaphore, #tpu.memory_space<semaphore_mem>>
    %dma_start3A_256 = tpu.memref_squeeze %dma_start3A_255 : memref<1x!tpu.dma_semaphore, #tpu.memory_space<semaphore_mem>> -> memref<!tpu.dma_semaphore, #tpu.memory_space<semaphore_mem>>
    %dma_start3A_257 = arith.constant 0 : i32
    %dma_start3A_258 = arith.constant 0 : i32
    %dma_start3A_259 = arith.constant 0 : i32
    %dma_start3A_260 = tpu.memref_slice %arg6[%dma_start3A_246, %dma_start3A_257, %dma_start3A_258, %dma_start3A_259] : memref<6x1x4x4096xf32, #tpu.memory_space<vmem>> -> memref<1x1x4x4096xf32, #tpu.memory_space<vmem>>
    %dma_start3A_261 = tpu.memref_squeeze %dma_start3A_260 : memref<1x1x4x4096xf32, #tpu.memory_space<vmem>> -> memref<1x4x4096xf32, #tpu.memory_space<vmem>>
    %dma_start3A_262 = arith.constant 0 : i32
    %dma_start3A_263 = tpu.memref_slice %arg2[%reduce_sum3A_243, %mul3A_245, %dma_start3A_262] : memref<100x64x4096xf32, #tpu.memory_space<hbm>> -> memref<1x4x4096xf32, #tpu.memory_space<hbm>>
    tpu.enqueue_dma source(%dma_start3A_263 : memref<1x4x4096xf32, #tpu.memory_space<hbm>>) target(%dma_start3A_261 : memref<1x4x4096xf32, #tpu.memory_space<vmem>>) target_semaphore(%dma_start3A_256 : memref<!tpu.dma_semaphore, #tpu.memory_space<semaphore_mem>>)
    %dma_wait3A_264 = arith.constant 1 : i32
    %dma_wait3A_265 = arith.constant 1 : i32
    %dma_wait3A_266 = arith.constant 0 : i32
    %dma_wait3A_267 = arith.constant 0 : i32
    %dma_wait3A_268 = arith.constant 0 : i32
    %dma_wait3A_269 = tpu.memref_slice %arg6[%dma_wait3A_264, %dma_wait3A_266, %dma_wait3A_267, %dma_wait3A_268] : memref<6x1x4x4096xf32, #tpu.memory_space<vmem>> -> memref<1x1x4x4096xf32, #tpu.memory_space<vmem>>
    %dma_wait3A_270 = tpu.memref_squeeze %dma_wait3A_269 : memref<1x1x4x4096xf32, #tpu.memory_space<vmem>> -> memref<1x4x4096xf32, #tpu.memory_space<vmem>>
    %dma_wait3A_271 = arith.constant 0 : i32
    %dma_wait3A_272 = tpu.memref_slice %arg2[%reduce_sum3A_65, %mul3A_67, %dma_wait3A_271] : memref<100x64x4096xf32, #tpu.memory_space<hbm>> -> memref<1x4x4096xf32, #tpu.memory_space<hbm>>
    %dma_wait3A_273 = tpu.memref_slice %arg7[%dma_wait3A_265] : memref<6x!tpu.dma_semaphore, #tpu.memory_space<semaphore_mem>> -> memref<1x!tpu.dma_semaphore, #tpu.memory_space<semaphore_mem>>
    %dma_wait3A_274 = tpu.memref_squeeze %dma_wait3A_273 : memref<1x!tpu.dma_semaphore, #tpu.memory_space<semaphore_mem>> -> memref<!tpu.dma_semaphore, #tpu.memory_space<semaphore_mem>>
    %dma_wait3A_275 = arith.constant 0 : i32
    %dma_wait3A_276 = arith.constant 0 : i32
    %dma_wait3A_277 = arith.constant 0 : i32
    %dma_wait3A_278 = tpu.memref_slice %arg6[%dma_wait3A_264, %dma_wait3A_275, %dma_wait3A_276, %dma_wait3A_277] : memref<6x1x4x4096xf32, #tpu.memory_space<vmem>> -> memref<1x1x4x4096xf32, #tpu.memory_space<vmem>>
    %dma_wait3A_279 = tpu.memref_squeeze %dma_wait3A_278 : memref<1x1x4x4096xf32, #tpu.memory_space<vmem>> -> memref<1x4x4096xf32, #tpu.memory_space<vmem>>
    %dma_wait3A_280 = arith.constant 0 : i32
    %dma_wait3A_281 = tpu.memref_slice %arg2[%reduce_sum3A_65, %mul3A_67, %dma_wait3A_280] : memref<100x64x4096xf32, #tpu.memory_space<hbm>> -> memref<1x4x4096xf32, #tpu.memory_space<hbm>>
    tpu.wait_dma2 semaphore(%dma_wait3A_274 : memref<!tpu.dma_semaphore, #tpu.memory_space<semaphore_mem>>) src(%dma_wait3A_281 : memref<1x4x4096xf32, #tpu.memory_space<hbm>>) dst(%dma_wait3A_279 : memref<1x4x4096xf32, #tpu.memory_space<vmem>>)
    %mul3A_282 = arith.constant 4 : i32
    %mul3A_283 = arith.muli %sub3A_47, %mul3A_282 : i32
    %dma_start3A_284 = arith.constant 1 : i32
    %dma_start3A_285 = arith.constant 1 : i32
    %dma_start3A_286 = arith.constant 0 : i32
    %dma_start3A_287 = arith.constant 0 : i32
    %dma_start3A_288 = arith.constant 0 : i32
    %dma_start3A_289 = tpu.memref_slice %arg6[%dma_start3A_284, %dma_start3A_286, %dma_start3A_287, %dma_start3A_288] : memref<6x1x4x4096xf32, #tpu.memory_space<vmem>> -> memref<1x1x4x4096xf32, #tpu.memory_space<vmem>>
    %dma_start3A_290 = tpu.memref_squeeze %dma_start3A_289 : memref<1x1x4x4096xf32, #tpu.memory_space<vmem>> -> memref<1x4x4096xf32, #tpu.memory_space<vmem>>
    %dma_start3A_291 = arith.constant 0 : i32
    %dma_start3A_292 = tpu.memref_slice %arg4[%div3A_44, %mul3A_283, %dma_start3A_291] : memref<26x64x4096xf32, #tpu.memory_space<hbm>> -> memref<1x4x4096xf32, #tpu.memory_space<hbm>>
    %dma_start3A_293 = tpu.memref_slice %arg8[%dma_start3A_285] : memref<6x!tpu.dma_semaphore, #tpu.memory_space<semaphore_mem>> -> memref<1x!tpu.dma_semaphore, #tpu.memory_space<semaphore_mem>>
    %dma_start3A_294 = tpu.memref_squeeze %dma_start3A_293 : memref<1x!tpu.dma_semaphore, #tpu.memory_space<semaphore_mem>> -> memref<!tpu.dma_semaphore, #tpu.memory_space<semaphore_mem>>
    %dma_start3A_295 = arith.constant 0 : i32
    %dma_start3A_296 = tpu.memref_slice %arg4[%div3A_44, %mul3A_283, %dma_start3A_295] : memref<26x64x4096xf32, #tpu.memory_space<hbm>> -> memref<1x4x4096xf32, #tpu.memory_space<hbm>>
    %dma_start3A_297 = arith.constant 0 : i32
    %dma_start3A_298 = arith.constant 0 : i32
    %dma_start3A_299 = arith.constant 0 : i32
    %dma_start3A_300 = tpu.memref_slice %arg6[%dma_start3A_284, %dma_start3A_297, %dma_start3A_298, %dma_start3A_299] : memref<6x1x4x4096xf32, #tpu.memory_space<vmem>> -> memref<1x1x4x4096xf32, #tpu.memory_space<vmem>>
    %dma_start3A_301 = tpu.memref_squeeze %dma_start3A_300 : memref<1x1x4x4096xf32, #tpu.memory_space<vmem>> -> memref<1x4x4096xf32, #tpu.memory_space<vmem>>
    tpu.enqueue_dma source(%dma_start3A_301 : memref<1x4x4096xf32, #tpu.memory_space<vmem>>) target(%dma_start3A_296 : memref<1x4x4096xf32, #tpu.memory_space<hbm>>) target_semaphore(%dma_start3A_294 : memref<!tpu.dma_semaphore, #tpu.memory_space<semaphore_mem>>)
    %mul3A_302 = arith.constant 13 : i32
    %mul3A_303 = arith.muli %add3A, %mul3A_302 : i32
    %add3A_304 = arith.constant 5 : i32
    %add3A_305 = arith.addi %mul3A_303, %add3A_304 : i32
    %div3A_306 = arith.constant 16 : i32
    %div3A_307 = arith.divsi %add3A_305, %div3A_306 : i32
    %mul3A_308 = arith.constant 16 : i32
    %mul3A_309 = arith.muli %div3A_307, %mul3A_308 : i32
    %sub3A_310 = arith.subi %add3A_305, %mul3A_309 : i32
    %div3A_311 = arith.constant 16 : i32
    %div3A_312 = arith.divsi %div3A_307, %div3A_311 : i32
    %mul3A_313 = arith.constant 16 : i32
    %mul3A_314 = arith.muli %div3A_312, %mul3A_313 : i32
    %get3A_315 = arith.index_cast %mul3A_314 : i32 to index
    %get3A_316 = tpu.vector_load %arg5[%get3A_315] {strides = array<i32>} : memref<32xi32, #tpu.memory_space<vmem>>, vector<16xi32>,
    %mul3A_317 = arith.constant 16 : i32
    %mul3A_318 = arith.muli %div3A_312, %mul3A_317 : i32
    %sub3A_319 = arith.subi %div3A_307, %mul3A_318 : i32
    %eq3A_320 = vector.broadcast %sub3A_319 : i32 to vector<16xi32>
    %eq3A_321 = arith.cmpi eq, %iota3A, %eq3A_320 : vector<16xi32>
    %jit3A_322 = arith.constant 0 : i32
    %broadcast_in_dim3A_323 = vector.broadcast %jit3A_322 : i32 to vector<16xi32>
    %select_n3A_324 = arith.select %eq3A_321, %get3A_316, %broadcast_in_dim3A_323 : vector<16xi1>, vector<16xi32>
    %reduce_sum3A_325 = arith.constant true
    %reduce_sum3A_326 = vector.broadcast %reduce_sum3A_325 : i1 to vector<16xi1>
    %reduce_sum3A_327 = tpu.scan <sum>, %select_n3A_324 masked %reduce_sum3A_326 : vector<16xi32>, vector<16xi1> -> vector<16xi32>
    %reduce_sum3A_328 = vector.extract %reduce_sum3A_327[15] : i32 from vector<16xi32>
    %mul3A_329 = arith.constant 4 : i32
    %mul3A_330 = arith.muli %sub3A_310, %mul3A_329 : i32
    %dma_start3A_331 = arith.constant 5 : i32
    %dma_start3A_332 = arith.constant 5 : i32
    %dma_start3A_333 = arith.constant 0 : i32
    %dma_start3A_334 = arith.constant 0 : i32
    %dma_start3A_335 = arith.constant 0 : i32
    %dma_start3A_336 = tpu.memref_slice %arg6[%dma_start3A_331, %dma_start3A_333, %dma_start3A_334, %dma_start3A_335] : memref<6x1x4x4096xf32, #tpu.memory_space<vmem>> -> memref<1x1x4x4096xf32, #tpu.memory_space<vmem>>
    %dma_start3A_337 = tpu.memref_squeeze %dma_start3A_336 : memref<1x1x4x4096xf32, #tpu.memory_space<vmem>> -> memref<1x4x4096xf32, #tpu.memory_space<vmem>>
    %dma_start3A_338 = arith.constant 0 : i32
    %dma_start3A_339 = tpu.memref_slice %arg2[%reduce_sum3A_328, %mul3A_330, %dma_start3A_338] : memref<100x64x4096xf32, #tpu.memory_space<hbm>> -> memref<1x4x4096xf32, #tpu.memory_space<hbm>>
    %dma_start3A_340 = tpu.memref_slice %arg7[%dma_start3A_332] : memref<6x!tpu.dma_semaphore, #tpu.memory_space<semaphore_mem>> -> memref<1x!tpu.dma_semaphore, #tpu.memory_space<semaphore_mem>>
    %dma_start3A_341 = tpu.memref_squeeze %dma_start3A_340 : memref<1x!tpu.dma_semaphore, #tpu.memory_space<semaphore_mem>> -> memref<!tpu.dma_semaphore, #tpu.memory_space<semaphore_mem>>
    %dma_start3A_342 = arith.constant 0 : i32
    %dma_start3A_343 = arith.constant 0 : i32
    %dma_start3A_344 = arith.constant 0 : i32
    %dma_start3A_345 = tpu.memref_slice %arg6[%dma_start3A_331, %dma_start3A_342, %dma_start3A_343, %dma_start3A_344] : memref<6x1x4x4096xf32, #tpu.memory_space<vmem>> -> memref<1x1x4x4096xf32, #tpu.memory_space<vmem>>
    %dma_start3A_346 = tpu.memref_squeeze %dma_start3A_345 : memref<1x1x4x4096xf32, #tpu.memory_space<vmem>> -> memref<1x4x4096xf32, #tpu.memory_space<vmem>>
    %dma_start3A_347 = arith.constant 0 : i32
    %dma_start3A_348 = tpu.memref_slice %arg2[%reduce_sum3A_328, %mul3A_330, %dma_start3A_347] : memref<100x64x4096xf32, #tpu.memory_space<hbm>> -> memref<1x4x4096xf32, #tpu.memory_space<hbm>>
    tpu.enqueue_dma source(%dma_start3A_348 : memref<1x4x4096xf32, #tpu.memory_space<hbm>>) target(%dma_start3A_346 : memref<1x4x4096xf32, #tpu.memory_space<vmem>>) target_semaphore(%dma_start3A_341 : memref<!tpu.dma_semaphore, #tpu.memory_space<semaphore_mem>>)
    %dma_wait3A_349 = arith.constant 2 : i32
    %dma_wait3A_350 = arith.constant 2 : i32
    %dma_wait3A_351 = arith.constant 0 : i32
    %dma_wait3A_352 = arith.constant 0 : i32
    %dma_wait3A_353 = arith.constant 0 : i32
    %dma_wait3A_354 = tpu.memref_slice %arg6[%dma_wait3A_349, %dma_wait3A_351, %dma_wait3A_352, %dma_wait3A_353] : memref<6x1x4x4096xf32, #tpu.memory_space<vmem>> -> memref<1x1x4x4096xf32, #tpu.memory_space<vmem>>
    %dma_wait3A_355 = tpu.memref_squeeze %dma_wait3A_354 : memref<1x1x4x4096xf32, #tpu.memory_space<vmem>> -> memref<1x4x4096xf32, #tpu.memory_space<vmem>>
    %dma_wait3A_356 = arith.constant 0 : i32
    %dma_wait3A_357 = tpu.memref_slice %arg2[%reduce_sum3A_112, %mul3A_114, %dma_wait3A_356] : memref<100x64x4096xf32, #tpu.memory_space<hbm>> -> memref<1x4x4096xf32, #tpu.memory_space<hbm>>
    %dma_wait3A_358 = tpu.memref_slice %arg7[%dma_wait3A_350] : memref<6x!tpu.dma_semaphore, #tpu.memory_space<semaphore_mem>> -> memref<1x!tpu.dma_semaphore, #tpu.memory_space<semaphore_mem>>
    %dma_wait3A_359 = tpu.memref_squeeze %dma_wait3A_358 : memref<1x!tpu.dma_semaphore, #tpu.memory_space<semaphore_mem>> -> memref<!tpu.dma_semaphore, #tpu.memory_space<semaphore_mem>>
    %dma_wait3A_360 = arith.constant 0 : i32
    %dma_wait3A_361 = arith.constant 0 : i32
    %dma_wait3A_362 = arith.constant 0 : i32
    %dma_wait3A_363 = tpu.memref_slice %arg6[%dma_wait3A_349, %dma_wait3A_360, %dma_wait3A_361, %dma_wait3A_362] : memref<6x1x4x4096xf32, #tpu.memory_space<vmem>> -> memref<1x1x4x4096xf32, #tpu.memory_space<vmem>>
    %dma_wait3A_364 = tpu.memref_squeeze %dma_wait3A_363 : memref<1x1x4x4096xf32, #tpu.memory_space<vmem>> -> memref<1x4x4096xf32, #tpu.memory_space<vmem>>
    %dma_wait3A_365 = arith.constant 0 : i32
    %dma_wait3A_366 = tpu.memref_slice %arg2[%reduce_sum3A_112, %mul3A_114, %dma_wait3A_365] : memref<100x64x4096xf32, #tpu.memory_space<hbm>> -> memref<1x4x4096xf32, #tpu.memory_space<hbm>>
    tpu.wait_dma2 semaphore(%dma_wait3A_359 : memref<!tpu.dma_semaphore, #tpu.memory_space<semaphore_mem>>) src(%dma_wait3A_366 : memref<1x4x4096xf32, #tpu.memory_space<hbm>>) dst(%dma_wait3A_364 : memref<1x4x4096xf32, #tpu.memory_space<vmem>>)
    %mul3A_367 = arith.constant 4 : i32
    %mul3A_368 = arith.muli %sub3A_94, %mul3A_367 : i32
    %dma_start3A_369 = arith.constant 2 : i32
    %dma_start3A_370 = arith.constant 2 : i32
    %dma_start3A_371 = arith.constant 0 : i32
    %dma_start3A_372 = arith.constant 0 : i32
    %dma_start3A_373 = arith.constant 0 : i32
    %dma_start3A_374 = tpu.memref_slice %arg6[%dma_start3A_369, %dma_start3A_371, %dma_start3A_372, %dma_start3A_373] : memref<6x1x4x4096xf32, #tpu.memory_space<vmem>> -> memref<1x1x4x4096xf32, #tpu.memory_space<vmem>>
    %dma_start3A_375 = tpu.memref_squeeze %dma_start3A_374 : memref<1x1x4x4096xf32, #tpu.memory_space<vmem>> -> memref<1x4x4096xf32, #tpu.memory_space<vmem>>
    %dma_start3A_376 = arith.constant 0 : i32
    %dma_start3A_377 = tpu.memref_slice %arg4[%div3A_91, %mul3A_368, %dma_start3A_376] : memref<26x64x4096xf32, #tpu.memory_space<hbm>> -> memref<1x4x4096xf32, #tpu.memory_space<hbm>>
    %dma_start3A_378 = tpu.memref_slice %arg8[%dma_start3A_370] : memref<6x!tpu.dma_semaphore, #tpu.memory_space<semaphore_mem>> -> memref<1x!tpu.dma_semaphore, #tpu.memory_space<semaphore_mem>>
    %dma_start3A_379 = tpu.memref_squeeze %dma_start3A_378 : memref<1x!tpu.dma_semaphore, #tpu.memory_space<semaphore_mem>> -> memref<!tpu.dma_semaphore, #tpu.memory_space<semaphore_mem>>
    %dma_start3A_380 = arith.constant 0 : i32
    %dma_start3A_381 = tpu.memref_slice %arg4[%div3A_91, %mul3A_368, %dma_start3A_380] : memref<26x64x4096xf32, #tpu.memory_space<hbm>> -> memref<1x4x4096xf32, #tpu.memory_space<hbm>>
    %dma_start3A_382 = arith.constant 0 : i32
    %dma_start3A_383 = arith.constant 0 : i32
    %dma_start3A_384 = arith.constant 0 : i32
    %dma_start3A_385 = tpu.memref_slice %arg6[%dma_start3A_369, %dma_start3A_382, %dma_start3A_383, %dma_start3A_384] : memref<6x1x4x4096xf32, #tpu.memory_space<vmem>> -> memref<1x1x4x4096xf32, #tpu.memory_space<vmem>>
    %dma_start3A_386 = tpu.memref_squeeze %dma_start3A_385 : memref<1x1x4x4096xf32, #tpu.memory_space<vmem>> -> memref<1x4x4096xf32, #tpu.memory_space<vmem>>
    tpu.enqueue_dma source(%dma_start3A_386 : memref<1x4x4096xf32, #tpu.memory_space<vmem>>) target(%dma_start3A_381 : memref<1x4x4096xf32, #tpu.memory_space<hbm>>) target_semaphore(%dma_start3A_379 : memref<!tpu.dma_semaphore, #tpu.memory_space<semaphore_mem>>)
    %dma_wait3A_387 = arith.constant 0 : i32
    %dma_wait3A_388 = arith.constant 0 : i32
    %dma_wait3A_389 = arith.constant 0 : i32
    %dma_wait3A_390 = arith.constant 0 : i32
    %dma_wait3A_391 = arith.constant 0 : i32
    %dma_wait3A_392 = tpu.memref_slice %arg6[%dma_wait3A_387, %dma_wait3A_389, %dma_wait3A_390, %dma_wait3A_391] : memref<6x1x4x4096xf32, #tpu.memory_space<vmem>> -> memref<1x1x4x4096xf32, #tpu.memory_space<vmem>>
    %dma_wait3A_393 = tpu.memref_squeeze %dma_wait3A_392 : memref<1x1x4x4096xf32, #tpu.memory_space<vmem>> -> memref<1x4x4096xf32, #tpu.memory_space<vmem>>
    %dma_wait3A_394 = arith.constant 0 : i32
    %dma_wait3A_395 = tpu.memref_slice %arg4[%div3A_5, %mul3A_198, %dma_wait3A_394] : memref<26x64x4096xf32, #tpu.memory_space<hbm>> -> memref<1x4x4096xf32, #tpu.memory_space<hbm>>
    %dma_wait3A_396 = tpu.memref_slice %arg8[%dma_wait3A_388] : memref<6x!tpu.dma_semaphore, #tpu.memory_space<semaphore_mem>> -> memref<1x!tpu.dma_semaphore, #tpu.memory_space<semaphore_mem>>
    %dma_wait3A_397 = tpu.memref_squeeze %dma_wait3A_396 : memref<1x!tpu.dma_semaphore, #tpu.memory_space<semaphore_mem>> -> memref<!tpu.dma_semaphore, #tpu.memory_space<semaphore_mem>>
    %dma_wait3A_398 = arith.constant 0 : i32
    %dma_wait3A_399 = tpu.memref_slice %arg4[%div3A_5, %mul3A_198, %dma_wait3A_398] : memref<26x64x4096xf32, #tpu.memory_space<hbm>> -> memref<1x4x4096xf32, #tpu.memory_space<hbm>>
    %dma_wait3A_400 = arith.constant 0 : i32
    %dma_wait3A_401 = arith.constant 0 : i32
    %dma_wait3A_402 = arith.constant 0 : i32
    %dma_wait3A_403 = tpu.memref_slice %arg6[%dma_wait3A_387, %dma_wait3A_400, %dma_wait3A_401, %dma_wait3A_402] : memref<6x1x4x4096xf32, #tpu.memory_space<vmem>> -> memref<1x1x4x4096xf32, #tpu.memory_space<vmem>>
    %dma_wait3A_404 = tpu.memref_squeeze %dma_wait3A_403 : memref<1x1x4x4096xf32, #tpu.memory_space<vmem>> -> memref<1x4x4096xf32, #tpu.memory_space<vmem>>
    tpu.wait_dma2 semaphore(%dma_wait3A_397 : memref<!tpu.dma_semaphore, #tpu.memory_space<semaphore_mem>>) src(%dma_wait3A_404 : memref<1x4x4096xf32, #tpu.memory_space<vmem>>) dst(%dma_wait3A_399 : memref<1x4x4096xf32, #tpu.memory_space<hbm>>)
    %mul3A_405 = arith.constant 13 : i32
    %mul3A_406 = arith.muli %add3A, %mul3A_405 : i32
    %add3A_407 = arith.constant 6 : i32
    %add3A_408 = arith.addi %mul3A_406, %add3A_407 : i32
    %div3A_409 = arith.constant 16 : i32
    %div3A_410 = arith.divsi %add3A_408, %div3A_409 : i32
    %mul3A_411 = arith.constant 16 : i32
    %mul3A_412 = arith.muli %div3A_410, %mul3A_411 : i32
    %sub3A_413 = arith.subi %add3A_408, %mul3A_412 : i32
    %div3A_414 = arith.constant 16 : i32
    %div3A_415 = arith.divsi %div3A_410, %div3A_414 : i32
    %mul3A_416 = arith.constant 16 : i32
    %mul3A_417 = arith.muli %div3A_415, %mul3A_416 : i32
    %get3A_418 = arith.index_cast %mul3A_417 : i32 to index
    %get3A_419 = tpu.vector_load %arg5[%get3A_418] {strides = array<i32>} : memref<32xi32, #tpu.memory_space<vmem>>, vector<16xi32>,
    %mul3A_420 = arith.constant 16 : i32
    %mul3A_421 = arith.muli %div3A_415, %mul3A_420 : i32
    %sub3A_422 = arith.subi %div3A_410, %mul3A_421 : i32
    %eq3A_423 = vector.broadcast %sub3A_422 : i32 to vector<16xi32>
    %eq3A_424 = arith.cmpi eq, %iota3A, %eq3A_423 : vector<16xi32>
    %jit3A_425 = arith.constant 0 : i32
    %broadcast_in_dim3A_426 = vector.broadcast %jit3A_425 : i32 to vector<16xi32>
    %select_n3A_427 = arith.select %eq3A_424, %get3A_419, %broadcast_in_dim3A_426 : vector<16xi1>, vector<16xi32>
    %reduce_sum3A_428 = arith.constant true
    %reduce_sum3A_429 = vector.broadcast %reduce_sum3A_428 : i1 to vector<16xi1>
    %reduce_sum3A_430 = tpu.scan <sum>, %select_n3A_427 masked %reduce_sum3A_429 : vector<16xi32>, vector<16xi1> -> vector<16xi32>
    %reduce_sum3A_431 = vector.extract %reduce_sum3A_430[15] : i32 from vector<16xi32>
    %mul3A_432 = arith.constant 4 : i32
    %mul3A_433 = arith.muli %sub3A_413, %mul3A_432 : i32
    %dma_start3A_434 = arith.constant 0 : i32
    %dma_start3A_435 = arith.constant 0 : i32
    %dma_start3A_436 = arith.constant 0 : i32
    %dma_start3A_437 = arith.constant 0 : i32
    %dma_start3A_438 = arith.constant 0 : i32
    %dma_start3A_439 = tpu.memref_slice %arg6[%dma_start3A_434, %dma_start3A_436, %dma_start3A_437, %dma_start3A_438] : memref<6x1x4x4096xf32, #tpu.memory_space<vmem>> -> memref<1x1x4x4096xf32, #tpu.memory_space<vmem>>
    %dma_start3A_440 = tpu.memref_squeeze %dma_start3A_439 : memref<1x1x4x4096xf32, #tpu.memory_space<vmem>> -> memref<1x4x4096xf32, #tpu.memory_space<vmem>>
    %dma_start3A_441 = arith.constant 0 : i32
    %dma_start3A_442 = tpu.memref_slice %arg2[%reduce_sum3A_431, %mul3A_433, %dma_start3A_441] : memref<100x64x4096xf32, #tpu.memory_space<hbm>> -> memref<1x4x4096xf32, #tpu.memory_space<hbm>>
    %dma_start3A_443 = tpu.memref_slice %arg7[%dma_start3A_435] : memref<6x!tpu.dma_semaphore, #tpu.memory_space<semaphore_mem>> -> memref<1x!tpu.dma_semaphore, #tpu.memory_space<semaphore_mem>>
    %dma_start3A_444 = tpu.memref_squeeze %dma_start3A_443 : memref<1x!tpu.dma_semaphore, #tpu.memory_space<semaphore_mem>> -> memref<!tpu.dma_semaphore, #tpu.memory_space<semaphore_mem>>
    %dma_start3A_445 = arith.constant 0 : i32
    %dma_start3A_446 = arith.constant 0 : i32
    %dma_start3A_447 = arith.constant 0 : i32
    %dma_start3A_448 = tpu.memref_slice %arg6[%dma_start3A_434, %dma_start3A_445, %dma_start3A_446, %dma_start3A_447] : memref<6x1x4x4096xf32, #tpu.memory_space<vmem>> -> memref<1x1x4x4096xf32, #tpu.memory_space<vmem>>
    %dma_start3A_449 = tpu.memref_squeeze %dma_start3A_448 : memref<1x1x4x4096xf32, #tpu.memory_space<vmem>> -> memref<1x4x4096xf32, #tpu.memory_space<vmem>>
    %dma_start3A_450 = arith.constant 0 : i32
    %dma_start3A_451 = tpu.memref_slice %arg2[%reduce_sum3A_431, %mul3A_433, %dma_start3A_450] : memref<100x64x4096xf32, #tpu.memory_space<hbm>> -> memref<1x4x4096xf32, #tpu.memory_space<hbm>>
    tpu.enqueue_dma source(%dma_start3A_451 : memref<1x4x4096xf32, #tpu.memory_space<hbm>>) target(%dma_start3A_449 : memref<1x4x4096xf32, #tpu.memory_space<vmem>>) target_semaphore(%dma_start3A_444 : memref<!tpu.dma_semaphore, #tpu.memory_space<semaphore_mem>>)
    %dma_wait3A_452 = arith.constant 3 : i32
    %dma_wait3A_453 = arith.constant 3 : i32
    %dma_wait3A_454 = arith.constant 0 : i32
    %dma_wait3A_455 = arith.constant 0 : i32
    %dma_wait3A_456 = arith.constant 0 : i32
    %dma_wait3A_457 = tpu.memref_slice %arg6[%dma_wait3A_452, %dma_wait3A_454, %dma_wait3A_455, %dma_wait3A_456] : memref<6x1x4x4096xf32, #tpu.memory_space<vmem>> -> memref<1x1x4x4096xf32, #tpu.memory_space<vmem>>
    %dma_wait3A_458 = tpu.memref_squeeze %dma_wait3A_457 : memref<1x1x4x4096xf32, #tpu.memory_space<vmem>> -> memref<1x4x4096xf32, #tpu.memory_space<vmem>>
    %dma_wait3A_459 = arith.constant 0 : i32
    %dma_wait3A_460 = tpu.memref_slice %arg2[%reduce_sum3A_159, %mul3A_161, %dma_wait3A_459] : memref<100x64x4096xf32, #tpu.memory_space<hbm>> -> memref<1x4x4096xf32, #tpu.memory_space<hbm>>
    %dma_wait3A_461 = tpu.memref_slice %arg7[%dma_wait3A_453] : memref<6x!tpu.dma_semaphore, #tpu.memory_space<semaphore_mem>> -> memref<1x!tpu.dma_semaphore, #tpu.memory_space<semaphore_mem>>
    %dma_wait3A_462 = tpu.memref_squeeze %dma_wait3A_461 : memref<1x!tpu.dma_semaphore, #tpu.memory_space<semaphore_mem>> -> memref<!tpu.dma_semaphore, #tpu.memory_space<semaphore_mem>>
    %dma_wait3A_463 = arith.constant 0 : i32
    %dma_wait3A_464 = arith.constant 0 : i32
    %dma_wait3A_465 = arith.constant 0 : i32
    %dma_wait3A_466 = tpu.memref_slice %arg6[%dma_wait3A_452, %dma_wait3A_463, %dma_wait3A_464, %dma_wait3A_465] : memref<6x1x4x4096xf32, #tpu.memory_space<vmem>> -> memref<1x1x4x4096xf32, #tpu.memory_space<vmem>>
    %dma_wait3A_467 = tpu.memref_squeeze %dma_wait3A_466 : memref<1x1x4x4096xf32, #tpu.memory_space<vmem>> -> memref<1x4x4096xf32, #tpu.memory_space<vmem>>
    %dma_wait3A_468 = arith.constant 0 : i32
    %dma_wait3A_469 = tpu.memref_slice %arg2[%reduce_sum3A_159, %mul3A_161, %dma_wait3A_468] : memref<100x64x4096xf32, #tpu.memory_space<hbm>> -> memref<1x4x4096xf32, #tpu.memory_space<hbm>>
    tpu.wait_dma2 semaphore(%dma_wait3A_462 : memref<!tpu.dma_semaphore, #tpu.memory_space<semaphore_mem>>) src(%dma_wait3A_469 : memref<1x4x4096xf32, #tpu.memory_space<hbm>>) dst(%dma_wait3A_467 : memref<1x4x4096xf32, #tpu.memory_space<vmem>>)
    %mul3A_470 = arith.constant 4 : i32
    %mul3A_471 = arith.muli %sub3A_141, %mul3A_470 : i32
    %dma_start3A_472 = arith.constant 3 : i32
    %dma_start3A_473 = arith.constant 3 : i32
    %dma_start3A_474 = arith.constant 0 : i32
    %dma_start3A_475 = arith.constant 0 : i32
    %dma_start3A_476 = arith.constant 0 : i32
    %dma_start3A_477 = tpu.memref_slice %arg6[%dma_start3A_472, %dma_start3A_474, %dma_start3A_475, %dma_start3A_476] : memref<6x1x4x4096xf32, #tpu.memory_space<vmem>> -> memref<1x1x4x4096xf32, #tpu.memory_space<vmem>>
    %dma_start3A_478 = tpu.memref_squeeze %dma_start3A_477 : memref<1x1x4x4096xf32, #tpu.memory_space<vmem>> -> memref<1x4x4096xf32, #tpu.memory_space<vmem>>
    %dma_start3A_479 = arith.constant 0 : i32
    %dma_start3A_480 = tpu.memref_slice %arg4[%div3A_138, %mul3A_471, %dma_start3A_479] : memref<26x64x4096xf32, #tpu.memory_space<hbm>> -> memref<1x4x4096xf32, #tpu.memory_space<hbm>>
    %dma_start3A_481 = tpu.memref_slice %arg8[%dma_start3A_473] : memref<6x!tpu.dma_semaphore, #tpu.memory_space<semaphore_mem>> -> memref<1x!tpu.dma_semaphore, #tpu.memory_space<semaphore_mem>>
    %dma_start3A_482 = tpu.memref_squeeze %dma_start3A_481 : memref<1x!tpu.dma_semaphore, #tpu.memory_space<semaphore_mem>> -> memref<!tpu.dma_semaphore, #tpu.memory_space<semaphore_mem>>
    %dma_start3A_483 = arith.constant 0 : i32
    %dma_start3A_484 = tpu.memref_slice %arg4[%div3A_138, %mul3A_471, %dma_start3A_483] : memref<26x64x4096xf32, #tpu.memory_space<hbm>> -> memref<1x4x4096xf32, #tpu.memory_space<hbm>>
    %dma_start3A_485 = arith.constant 0 : i32
    %dma_start3A_486 = arith.constant 0 : i32
    %dma_start3A_487 = arith.constant 0 : i32
    %dma_start3A_488 = tpu.memref_slice %arg6[%dma_start3A_472, %dma_start3A_485, %dma_start3A_486, %dma_start3A_487] : memref<6x1x4x4096xf32, #tpu.memory_space<vmem>> -> memref<1x1x4x4096xf32, #tpu.memory_space<vmem>>
    %dma_start3A_489 = tpu.memref_squeeze %dma_start3A_488 : memref<1x1x4x4096xf32, #tpu.memory_space<vmem>> -> memref<1x4x4096xf32, #tpu.memory_space<vmem>>
    tpu.enqueue_dma source(%dma_start3A_489 : memref<1x4x4096xf32, #tpu.memory_space<vmem>>) target(%dma_start3A_484 : memref<1x4x4096xf32, #tpu.memory_space<hbm>>) target_semaphore(%dma_start3A_482 : memref<!tpu.dma_semaphore, #tpu.memory_space<semaphore_mem>>)
    %dma_wait3A_490 = arith.constant 1 : i32
    %dma_wait3A_491 = arith.constant 1 : i32
    %dma_wait3A_492 = arith.constant 0 : i32
    %dma_wait3A_493 = arith.constant 0 : i32
    %dma_wait3A_494 = arith.constant 0 : i32
    %dma_wait3A_495 = tpu.memref_slice %arg6[%dma_wait3A_490, %dma_wait3A_492, %dma_wait3A_493, %dma_wait3A_494] : memref<6x1x4x4096xf32, #tpu.memory_space<vmem>> -> memref<1x1x4x4096xf32, #tpu.memory_space<vmem>>
    %dma_wait3A_496 = tpu.memref_squeeze %dma_wait3A_495 : memref<1x1x4x4096xf32, #tpu.memory_space<vmem>> -> memref<1x4x4096xf32, #tpu.memory_space<vmem>>
    %dma_wait3A_497 = arith.constant 0 : i32
    %dma_wait3A_498 = tpu.memref_slice %arg4[%div3A_44, %mul3A_283, %dma_wait3A_497] : memref<26x64x4096xf32, #tpu.memory_space<hbm>> -> memref<1x4x4096xf32, #tpu.memory_space<hbm>>
    %dma_wait3A_499 = tpu.memref_slice %arg8[%dma_wait3A_491] : memref<6x!tpu.dma_semaphore, #tpu.memory_space<semaphore_mem>> -> memref<1x!tpu.dma_semaphore, #tpu.memory_space<semaphore_mem>>
    %dma_wait3A_500 = tpu.memref_squeeze %dma_wait3A_499 : memref<1x!tpu.dma_semaphore, #tpu.memory_space<semaphore_mem>> -> memref<!tpu.dma_semaphore, #tpu.memory_space<semaphore_mem>>
    %dma_wait3A_501 = arith.constant 0 : i32
    %dma_wait3A_502 = tpu.memref_slice %arg4[%div3A_44, %mul3A_283, %dma_wait3A_501] : memref<26x64x4096xf32, #tpu.memory_space<hbm>> -> memref<1x4x4096xf32, #tpu.memory_space<hbm>>
    %dma_wait3A_503 = arith.constant 0 : i32
    %dma_wait3A_504 = arith.constant 0 : i32
    %dma_wait3A_505 = arith.constant 0 : i32
    %dma_wait3A_506 = tpu.memref_slice %arg6[%dma_wait3A_490, %dma_wait3A_503, %dma_wait3A_504, %dma_wait3A_505] : memref<6x1x4x4096xf32, #tpu.memory_space<vmem>> -> memref<1x1x4x4096xf32, #tpu.memory_space<vmem>>
    %dma_wait3A_507 = tpu.memref_squeeze %dma_wait3A_506 : memref<1x1x4x4096xf32, #tpu.memory_space<vmem>> -> memref<1x4x4096xf32, #tpu.memory_space<vmem>>
    tpu.wait_dma2 semaphore(%dma_wait3A_500 : memref<!tpu.dma_semaphore, #tpu.memory_space<semaphore_mem>>) src(%dma_wait3A_507 : memref<1x4x4096xf32, #tpu.memory_space<vmem>>) dst(%dma_wait3A_502 : memref<1x4x4096xf32, #tpu.memory_space<hbm>>)
    %mul3A_508 = arith.constant 13 : i32
    %mul3A_509 = arith.muli %add3A, %mul3A_508 : i32
    %add3A_510 = arith.constant 7 : i32
    %add3A_511 = arith.addi %mul3A_509, %add3A_510 : i32
    %div3A_512 = arith.constant 16 : i32
    %div3A_513 = arith.divsi %add3A_511, %div3A_512 : i32
    %mul3A_514 = arith.constant 16 : i32
    %mul3A_515 = arith.muli %div3A_513, %mul3A_514 : i32
    %sub3A_516 = arith.subi %add3A_511, %mul3A_515 : i32
    %div3A_517 = arith.constant 16 : i32
    %div3A_518 = arith.divsi %div3A_513, %div3A_517 : i32
    %mul3A_519 = arith.constant 16 : i32
    %mul3A_520 = arith.muli %div3A_518, %mul3A_519 : i32
    %get3A_521 = arith.index_cast %mul3A_520 : i32 to index
    %get3A_522 = tpu.vector_load %arg5[%get3A_521] {strides = array<i32>} : memref<32xi32, #tpu.memory_space<vmem>>, vector<16xi32>,
    %mul3A_523 = arith.constant 16 : i32
    %mul3A_524 = arith.muli %div3A_518, %mul3A_523 : i32
    %sub3A_525 = arith.subi %div3A_513, %mul3A_524 : i32
    %eq3A_526 = vector.broadcast %sub3A_525 : i32 to vector<16xi32>
    %eq3A_527 = arith.cmpi eq, %iota3A, %eq3A_526 : vector<16xi32>
    %jit3A_528 = arith.constant 0 : i32
    %broadcast_in_dim3A_529 = vector.broadcast %jit3A_528 : i32 to vector<16xi32>
    %select_n3A_530 = arith.select %eq3A_527, %get3A_522, %broadcast_in_dim3A_529 : vector<16xi1>, vector<16xi32>
    %reduce_sum3A_531 = arith.constant true
    %reduce_sum3A_532 = vector.broadcast %reduce_sum3A_531 : i1 to vector<16xi1>
    %reduce_sum3A_533 = tpu.scan <sum>, %select_n3A_530 masked %reduce_sum3A_532 : vector<16xi32>, vector<16xi1> -> vector<16xi32>
    %reduce_sum3A_534 = vector.extract %reduce_sum3A_533[15] : i32 from vector<16xi32>
    %mul3A_535 = arith.constant 4 : i32
    %mul3A_536 = arith.muli %sub3A_516, %mul3A_535 : i32
    %dma_start3A_537 = arith.constant 1 : i32
    %dma_start3A_538 = arith.constant 1 : i32
    %dma_start3A_539 = arith.constant 0 : i32
    %dma_start3A_540 = arith.constant 0 : i32
    %dma_start3A_541 = arith.constant 0 : i32
    %dma_start3A_542 = tpu.memref_slice %arg6[%dma_start3A_537, %dma_start3A_539, %dma_start3A_540, %dma_start3A_541] : memref<6x1x4x4096xf32, #tpu.memory_space<vmem>> -> memref<1x1x4x4096xf32, #tpu.memory_space<vmem>>
    %dma_start3A_543 = tpu.memref_squeeze %dma_start3A_542 : memref<1x1x4x4096xf32, #tpu.memory_space<vmem>> -> memref<1x4x4096xf32, #tpu.memory_space<vmem>>
    %dma_start3A_544 = arith.constant 0 : i32
    %dma_start3A_545 = tpu.memref_slice %arg2[%reduce_sum3A_534, %mul3A_536, %dma_start3A_544] : memref<100x64x4096xf32, #tpu.memory_space<hbm>> -> memref<1x4x4096xf32, #tpu.memory_space<hbm>>
    %dma_start3A_546 = tpu.memref_slice %arg7[%dma_start3A_538] : memref<6x!tpu.dma_semaphore, #tpu.memory_space<semaphore_mem>> -> memref<1x!tpu.dma_semaphore, #tpu.memory_space<semaphore_mem>>
    %dma_start3A_547 = tpu.memref_squeeze %dma_start3A_546 : memref<1x!tpu.dma_semaphore, #tpu.memory_space<semaphore_mem>> -> memref<!tpu.dma_semaphore, #tpu.memory_space<semaphore_mem>>
    %dma_start3A_548 = arith.constant 0 : i32
    %dma_start3A_549 = arith.constant 0 : i32
    %dma_start3A_550 = arith.constant 0 : i32
    %dma_start3A_551 = tpu.memref_slice %arg6[%dma_start3A_537, %dma_start3A_548, %dma_start3A_549, %dma_start3A_550] : memref<6x1x4x4096xf32, #tpu.memory_space<vmem>> -> memref<1x1x4x4096xf32, #tpu.memory_space<vmem>>
    %dma_start3A_552 = tpu.memref_squeeze %dma_start3A_551 : memref<1x1x4x4096xf32, #tpu.memory_space<vmem>> -> memref<1x4x4096xf32, #tpu.memory_space<vmem>>
    %dma_start3A_553 = arith.constant 0 : i32
    %dma_start3A_554 = tpu.memref_slice %arg2[%reduce_sum3A_534, %mul3A_536, %dma_start3A_553] : memref<100x64x4096xf32, #tpu.memory_space<hbm>> -> memref<1x4x4096xf32, #tpu.memory_space<hbm>>
    tpu.enqueue_dma source(%dma_start3A_554 : memref<1x4x4096xf32, #tpu.memory_space<hbm>>) target(%dma_start3A_552 : memref<1x4x4096xf32, #tpu.memory_space<vmem>>) target_semaphore(%dma_start3A_547 : memref<!tpu.dma_semaphore, #tpu.memory_space<semaphore_mem>>)
    %dma_wait3A_555 = arith.constant 4 : i32
    %dma_wait3A_556 = arith.constant 4 : i32
    %dma_wait3A_557 = arith.constant 0 : i32
    %dma_wait3A_558 = arith.constant 0 : i32
    %dma_wait3A_559 = arith.constant 0 : i32
    %dma_wait3A_560 = tpu.memref_slice %arg6[%dma_wait3A_555, %dma_wait3A_557, %dma_wait3A_558, %dma_wait3A_559] : memref<6x1x4x4096xf32, #tpu.memory_space<vmem>> -> memref<1x1x4x4096xf32, #tpu.memory_space<vmem>>
    %dma_wait3A_561 = tpu.memref_squeeze %dma_wait3A_560 : memref<1x1x4x4096xf32, #tpu.memory_space<vmem>> -> memref<1x4x4096xf32, #tpu.memory_space<vmem>>
    %dma_wait3A_562 = arith.constant 0 : i32
    %dma_wait3A_563 = tpu.memref_slice %arg2[%reduce_sum3A_243, %mul3A_245, %dma_wait3A_562] : memref<100x64x4096xf32, #tpu.memory_space<hbm>> -> memref<1x4x4096xf32, #tpu.memory_space<hbm>>
    %dma_wait3A_564 = tpu.memref_slice %arg7[%dma_wait3A_556] : memref<6x!tpu.dma_semaphore, #tpu.memory_space<semaphore_mem>> -> memref<1x!tpu.dma_semaphore, #tpu.memory_space<semaphore_mem>>
    %dma_wait3A_565 = tpu.memref_squeeze %dma_wait3A_564 : memref<1x!tpu.dma_semaphore, #tpu.memory_space<semaphore_mem>> -> memref<!tpu.dma_semaphore, #tpu.memory_space<semaphore_mem>>
    %dma_wait3A_566 = arith.constant 0 : i32
    %dma_wait3A_567 = arith.constant 0 : i32
    %dma_wait3A_568 = arith.constant 0 : i32
    %dma_wait3A_569 = tpu.memref_slice %arg6[%dma_wait3A_555, %dma_wait3A_566, %dma_wait3A_567, %dma_wait3A_568] : memref<6x1x4x4096xf32, #tpu.memory_space<vmem>> -> memref<1x1x4x4096xf32, #tpu.memory_space<vmem>>
    %dma_wait3A_570 = tpu.memref_squeeze %dma_wait3A_569 : memref<1x1x4x4096xf32, #tpu.memory_space<vmem>> -> memref<1x4x4096xf32, #tpu.memory_space<vmem>>
    %dma_wait3A_571 = arith.constant 0 : i32
    %dma_wait3A_572 = tpu.memref_slice %arg2[%reduce_sum3A_243, %mul3A_245, %dma_wait3A_571] : memref<100x64x4096xf32, #tpu.memory_space<hbm>> -> memref<1x4x4096xf32, #tpu.memory_space<hbm>>
    tpu.wait_dma2 semaphore(%dma_wait3A_565 : memref<!tpu.dma_semaphore, #tpu.memory_space<semaphore_mem>>) src(%dma_wait3A_572 : memref<1x4x4096xf32, #tpu.memory_space<hbm>>) dst(%dma_wait3A_570 : memref<1x4x4096xf32, #tpu.memory_space<vmem>>)
    %mul3A_573 = arith.constant 4 : i32
    %mul3A_574 = arith.muli %sub3A_225, %mul3A_573 : i32
    %dma_start3A_575 = arith.constant 4 : i32
    %dma_start3A_576 = arith.constant 4 : i32
    %dma_start3A_577 = arith.constant 0 : i32
    %dma_start3A_578 = arith.constant 0 : i32
    %dma_start3A_579 = arith.constant 0 : i32
    %dma_start3A_580 = tpu.memref_slice %arg6[%dma_start3A_575, %dma_start3A_577, %dma_start3A_578, %dma_start3A_579] : memref<6x1x4x4096xf32, #tpu.memory_space<vmem>> -> memref<1x1x4x4096xf32, #tpu.memory_space<vmem>>
    %dma_start3A_581 = tpu.memref_squeeze %dma_start3A_580 : memref<1x1x4x4096xf32, #tpu.memory_space<vmem>> -> memref<1x4x4096xf32, #tpu.memory_space<vmem>>
    %dma_start3A_582 = arith.constant 0 : i32
    %dma_start3A_583 = tpu.memref_slice %arg4[%div3A_222, %mul3A_574, %dma_start3A_582] : memref<26x64x4096xf32, #tpu.memory_space<hbm>> -> memref<1x4x4096xf32, #tpu.memory_space<hbm>>
    %dma_start3A_584 = tpu.memref_slice %arg8[%dma_start3A_576] : memref<6x!tpu.dma_semaphore, #tpu.memory_space<semaphore_mem>> -> memref<1x!tpu.dma_semaphore, #tpu.memory_space<semaphore_mem>>
    %dma_start3A_585 = tpu.memref_squeeze %dma_start3A_584 : memref<1x!tpu.dma_semaphore, #tpu.memory_space<semaphore_mem>> -> memref<!tpu.dma_semaphore, #tpu.memory_space<semaphore_mem>>
    %dma_start3A_586 = arith.constant 0 : i32
    %dma_start3A_587 = tpu.memref_slice %arg4[%div3A_222, %mul3A_574, %dma_start3A_586] : memref<26x64x4096xf32, #tpu.memory_space<hbm>> -> memref<1x4x4096xf32, #tpu.memory_space<hbm>>
    %dma_start3A_588 = arith.constant 0 : i32
    %dma_start3A_589 = arith.constant 0 : i32
    %dma_start3A_590 = arith.constant 0 : i32
    %dma_start3A_591 = tpu.memref_slice %arg6[%dma_start3A_575, %dma_start3A_588, %dma_start3A_589, %dma_start3A_590] : memref<6x1x4x4096xf32, #tpu.memory_space<vmem>> -> memref<1x1x4x4096xf32, #tpu.memory_space<vmem>>
    %dma_start3A_592 = tpu.memref_squeeze %dma_start3A_591 : memref<1x1x4x4096xf32, #tpu.memory_space<vmem>> -> memref<1x4x4096xf32, #tpu.memory_space<vmem>>
    tpu.enqueue_dma source(%dma_start3A_592 : memref<1x4x4096xf32, #tpu.memory_space<vmem>>) target(%dma_start3A_587 : memref<1x4x4096xf32, #tpu.memory_space<hbm>>) target_semaphore(%dma_start3A_585 : memref<!tpu.dma_semaphore, #tpu.memory_space<semaphore_mem>>)
    %dma_wait3A_593 = arith.constant 2 : i32
    %dma_wait3A_594 = arith.constant 2 : i32
    %dma_wait3A_595 = arith.constant 0 : i32
    %dma_wait3A_596 = arith.constant 0 : i32
    %dma_wait3A_597 = arith.constant 0 : i32
    %dma_wait3A_598 = tpu.memref_slice %arg6[%dma_wait3A_593, %dma_wait3A_595, %dma_wait3A_596, %dma_wait3A_597] : memref<6x1x4x4096xf32, #tpu.memory_space<vmem>> -> memref<1x1x4x4096xf32, #tpu.memory_space<vmem>>
    %dma_wait3A_599 = tpu.memref_squeeze %dma_wait3A_598 : memref<1x1x4x4096xf32, #tpu.memory_space<vmem>> -> memref<1x4x4096xf32, #tpu.memory_space<vmem>>
    %dma_wait3A_600 = arith.constant 0 : i32
    %dma_wait3A_601 = tpu.memref_slice %arg4[%div3A_91, %mul3A_368, %dma_wait3A_600] : memref<26x64x4096xf32, #tpu.memory_space<hbm>> -> memref<1x4x4096xf32, #tpu.memory_space<hbm>>
    %dma_wait3A_602 = tpu.memref_slice %arg8[%dma_wait3A_594] : memref<6x!tpu.dma_semaphore, #tpu.memory_space<semaphore_mem>> -> memref<1x!tpu.dma_semaphore, #tpu.memory_space<semaphore_mem>>
    %dma_wait3A_603 = tpu.memref_squeeze %dma_wait3A_602 : memref<1x!tpu.dma_semaphore, #tpu.memory_space<semaphore_mem>> -> memref<!tpu.dma_semaphore, #tpu.memory_space<semaphore_mem>>
    %dma_wait3A_604 = arith.constant 0 : i32
    %dma_wait3A_605 = tpu.memref_slice %arg4[%div3A_91, %mul3A_368, %dma_wait3A_604] : memref<26x64x4096xf32, #tpu.memory_space<hbm>> -> memref<1x4x4096xf32, #tpu.memory_space<hbm>>
    %dma_wait3A_606 = arith.constant 0 : i32
    %dma_wait3A_607 = arith.constant 0 : i32
    %dma_wait3A_608 = arith.constant 0 : i32
    %dma_wait3A_609 = tpu.memref_slice %arg6[%dma_wait3A_593, %dma_wait3A_606, %dma_wait3A_607, %dma_wait3A_608] : memref<6x1x4x4096xf32, #tpu.memory_space<vmem>> -> memref<1x1x4x4096xf32, #tpu.memory_space<vmem>>
    %dma_wait3A_610 = tpu.memref_squeeze %dma_wait3A_609 : memref<1x1x4x4096xf32, #tpu.memory_space<vmem>> -> memref<1x4x4096xf32, #tpu.memory_space<vmem>>
    tpu.wait_dma2 semaphore(%dma_wait3A_603 : memref<!tpu.dma_semaphore, #tpu.memory_space<semaphore_mem>>) src(%dma_wait3A_610 : memref<1x4x4096xf32, #tpu.memory_space<vmem>>) dst(%dma_wait3A_605 : memref<1x4x4096xf32, #tpu.memory_space<hbm>>)
    %mul3A_611 = arith.constant 13 : i32
    %mul3A_612 = arith.muli %add3A, %mul3A_611 : i32
    %add3A_613 = arith.constant 8 : i32
    %add3A_614 = arith.addi %mul3A_612, %add3A_613 : i32
    %div3A_615 = arith.constant 16 : i32
    %div3A_616 = arith.divsi %add3A_614, %div3A_615 : i32
    %mul3A_617 = arith.constant 16 : i32
    %mul3A_618 = arith.muli %div3A_616, %mul3A_617 : i32
    %sub3A_619 = arith.subi %add3A_614, %mul3A_618 : i32
    %div3A_620 = arith.constant 16 : i32
    %div3A_621 = arith.divsi %div3A_616, %div3A_620 : i32
    %mul3A_622 = arith.constant 16 : i32
    %mul3A_623 = arith.muli %div3A_621, %mul3A_622 : i32
    %get3A_624 = arith.index_cast %mul3A_623 : i32 to index
    %get3A_625 = tpu.vector_load %arg5[%get3A_624] {strides = array<i32>} : memref<32xi32, #tpu.memory_space<vmem>>, vector<16xi32>,
    %mul3A_626 = arith.constant 16 : i32
    %mul3A_627 = arith.muli %div3A_621, %mul3A_626 : i32
    %sub3A_628 = arith.subi %div3A_616, %mul3A_627 : i32
    %eq3A_629 = vector.broadcast %sub3A_628 : i32 to vector<16xi32>
    %eq3A_630 = arith.cmpi eq, %iota3A, %eq3A_629 : vector<16xi32>
    %jit3A_631 = arith.constant 0 : i32
    %broadcast_in_dim3A_632 = vector.broadcast %jit3A_631 : i32 to vector<16xi32>
    %select_n3A_633 = arith.select %eq3A_630, %get3A_625, %broadcast_in_dim3A_632 : vector<16xi1>, vector<16xi32>
    %reduce_sum3A_634 = arith.constant true
    %reduce_sum3A_635 = vector.broadcast %reduce_sum3A_634 : i1 to vector<16xi1>
    %reduce_sum3A_636 = tpu.scan <sum>, %select_n3A_633 masked %reduce_sum3A_635 : vector<16xi32>, vector<16xi1> -> vector<16xi32>
    %reduce_sum3A_637 = vector.extract %reduce_sum3A_636[15] : i32 from vector<16xi32>
    %mul3A_638 = arith.constant 4 : i32
    %mul3A_639 = arith.muli %sub3A_619, %mul3A_638 : i32
    %dma_start3A_640 = arith.constant 2 : i32
    %dma_start3A_641 = arith.constant 2 : i32
    %dma_start3A_642 = arith.constant 0 : i32
    %dma_start3A_643 = arith.constant 0 : i32
    %dma_start3A_644 = arith.constant 0 : i32
    %dma_start3A_645 = tpu.memref_slice %arg6[%dma_start3A_640, %dma_start3A_642, %dma_start3A_643, %dma_start3A_644] : memref<6x1x4x4096xf32, #tpu.memory_space<vmem>> -> memref<1x1x4x4096xf32, #tpu.memory_space<vmem>>
    %dma_start3A_646 = tpu.memref_squeeze %dma_start3A_645 : memref<1x1x4x4096xf32, #tpu.memory_space<vmem>> -> memref<1x4x4096xf32, #tpu.memory_space<vmem>>
    %dma_start3A_647 = arith.constant 0 : i32
    %dma_start3A_648 = tpu.memref_slice %arg2[%reduce_sum3A_637, %mul3A_639, %dma_start3A_647] : memref<100x64x4096xf32, #tpu.memory_space<hbm>> -> memref<1x4x4096xf32, #tpu.memory_space<hbm>>
    %dma_start3A_649 = tpu.memref_slice %arg7[%dma_start3A_641] : memref<6x!tpu.dma_semaphore, #tpu.memory_space<semaphore_mem>> -> memref<1x!tpu.dma_semaphore, #tpu.memory_space<semaphore_mem>>
    %dma_start3A_650 = tpu.memref_squeeze %dma_start3A_649 : memref<1x!tpu.dma_semaphore, #tpu.memory_space<semaphore_mem>> -> memref<!tpu.dma_semaphore, #tpu.memory_space<semaphore_mem>>
    %dma_start3A_651 = arith.constant 0 : i32
    %dma_start3A_652 = arith.constant 0 : i32
    %dma_start3A_653 = arith.constant 0 : i32
    %dma_start3A_654 = tpu.memref_slice %arg6[%dma_start3A_640, %dma_start3A_651, %dma_start3A_652, %dma_start3A_653] : memref<6x1x4x4096xf32, #tpu.memory_space<vmem>> -> memref<1x1x4x4096xf32, #tpu.memory_space<vmem>>
    %dma_start3A_655 = tpu.memref_squeeze %dma_start3A_654 : memref<1x1x4x4096xf32, #tpu.memory_space<vmem>> -> memref<1x4x4096xf32, #tpu.memory_space<vmem>>
    %dma_start3A_656 = arith.constant 0 : i32
    %dma_start3A_657 = tpu.memref_slice %arg2[%reduce_sum3A_637, %mul3A_639, %dma_start3A_656] : memref<100x64x4096xf32, #tpu.memory_space<hbm>> -> memref<1x4x4096xf32, #tpu.memory_space<hbm>>
    tpu.enqueue_dma source(%dma_start3A_657 : memref<1x4x4096xf32, #tpu.memory_space<hbm>>) target(%dma_start3A_655 : memref<1x4x4096xf32, #tpu.memory_space<vmem>>) target_semaphore(%dma_start3A_650 : memref<!tpu.dma_semaphore, #tpu.memory_space<semaphore_mem>>)
    %dma_wait3A_658 = arith.constant 5 : i32
    %dma_wait3A_659 = arith.constant 5 : i32
    %dma_wait3A_660 = arith.constant 0 : i32
    %dma_wait3A_661 = arith.constant 0 : i32
    %dma_wait3A_662 = arith.constant 0 : i32
    %dma_wait3A_663 = tpu.memref_slice %arg6[%dma_wait3A_658, %dma_wait3A_660, %dma_wait3A_661, %dma_wait3A_662] : memref<6x1x4x4096xf32, #tpu.memory_space<vmem>> -> memref<1x1x4x4096xf32, #tpu.memory_space<vmem>>
    %dma_wait3A_664 = tpu.memref_squeeze %dma_wait3A_663 : memref<1x1x4x4096xf32, #tpu.memory_space<vmem>> -> memref<1x4x4096xf32, #tpu.memory_space<vmem>>
    %dma_wait3A_665 = arith.constant 0 : i32
    %dma_wait3A_666 = tpu.memref_slice %arg2[%reduce_sum3A_328, %mul3A_330, %dma_wait3A_665] : memref<100x64x4096xf32, #tpu.memory_space<hbm>> -> memref<1x4x4096xf32, #tpu.memory_space<hbm>>
    %dma_wait3A_667 = tpu.memref_slice %arg7[%dma_wait3A_659] : memref<6x!tpu.dma_semaphore, #tpu.memory_space<semaphore_mem>> -> memref<1x!tpu.dma_semaphore, #tpu.memory_space<semaphore_mem>>
    %dma_wait3A_668 = tpu.memref_squeeze %dma_wait3A_667 : memref<1x!tpu.dma_semaphore, #tpu.memory_space<semaphore_mem>> -> memref<!tpu.dma_semaphore, #tpu.memory_space<semaphore_mem>>
    %dma_wait3A_669 = arith.constant 0 : i32
    %dma_wait3A_670 = arith.constant 0 : i32
    %dma_wait3A_671 = arith.constant 0 : i32
    %dma_wait3A_672 = tpu.memref_slice %arg6[%dma_wait3A_658, %dma_wait3A_669, %dma_wait3A_670, %dma_wait3A_671] : memref<6x1x4x4096xf32, #tpu.memory_space<vmem>> -> memref<1x1x4x4096xf32, #tpu.memory_space<vmem>>
    %dma_wait3A_673 = tpu.memref_squeeze %dma_wait3A_672 : memref<1x1x4x4096xf32, #tpu.memory_space<vmem>> -> memref<1x4x4096xf32, #tpu.memory_space<vmem>>
    %dma_wait3A_674 = arith.constant 0 : i32
    %dma_wait3A_675 = tpu.memref_slice %arg2[%reduce_sum3A_328, %mul3A_330, %dma_wait3A_674] : memref<100x64x4096xf32, #tpu.memory_space<hbm>> -> memref<1x4x4096xf32, #tpu.memory_space<hbm>>
    tpu.wait_dma2 semaphore(%dma_wait3A_668 : memref<!tpu.dma_semaphore, #tpu.memory_space<semaphore_mem>>) src(%dma_wait3A_675 : memref<1x4x4096xf32, #tpu.memory_space<hbm>>) dst(%dma_wait3A_673 : memref<1x4x4096xf32, #tpu.memory_space<vmem>>)
    %mul3A_676 = arith.constant 4 : i32
    %mul3A_677 = arith.muli %sub3A_310, %mul3A_676 : i32
    %dma_start3A_678 = arith.constant 5 : i32
    %dma_start3A_679 = arith.constant 5 : i32
    %dma_start3A_680 = arith.constant 0 : i32
    %dma_start3A_681 = arith.constant 0 : i32
    %dma_start3A_682 = arith.constant 0 : i32
    %dma_start3A_683 = tpu.memref_slice %arg6[%dma_start3A_678, %dma_start3A_680, %dma_start3A_681, %dma_start3A_682] : memref<6x1x4x4096xf32, #tpu.memory_space<vmem>> -> memref<1x1x4x4096xf32, #tpu.memory_space<vmem>>
    %dma_start3A_684 = tpu.memref_squeeze %dma_start3A_683 : memref<1x1x4x4096xf32, #tpu.memory_space<vmem>> -> memref<1x4x4096xf32, #tpu.memory_space<vmem>>
    %dma_start3A_685 = arith.constant 0 : i32
    %dma_start3A_686 = tpu.memref_slice %arg4[%div3A_307, %mul3A_677, %dma_start3A_685] : memref<26x64x4096xf32, #tpu.memory_space<hbm>> -> memref<1x4x4096xf32, #tpu.memory_space<hbm>>
    %dma_start3A_687 = tpu.memref_slice %arg8[%dma_start3A_679] : memref<6x!tpu.dma_semaphore, #tpu.memory_space<semaphore_mem>> -> memref<1x!tpu.dma_semaphore, #tpu.memory_space<semaphore_mem>>
    %dma_start3A_688 = tpu.memref_squeeze %dma_start3A_687 : memref<1x!tpu.dma_semaphore, #tpu.memory_space<semaphore_mem>> -> memref<!tpu.dma_semaphore, #tpu.memory_space<semaphore_mem>>
    %dma_start3A_689 = arith.constant 0 : i32
    %dma_start3A_690 = tpu.memref_slice %arg4[%div3A_307, %mul3A_677, %dma_start3A_689] : memref<26x64x4096xf32, #tpu.memory_space<hbm>> -> memref<1x4x4096xf32, #tpu.memory_space<hbm>>
    %dma_start3A_691 = arith.constant 0 : i32
    %dma_start3A_692 = arith.constant 0 : i32
    %dma_start3A_693 = arith.constant 0 : i32
    %dma_start3A_694 = tpu.memref_slice %arg6[%dma_start3A_678, %dma_start3A_691, %dma_start3A_692, %dma_start3A_693] : memref<6x1x4x4096xf32, #tpu.memory_space<vmem>> -> memref<1x1x4x4096xf32, #tpu.memory_space<vmem>>
    %dma_start3A_695 = tpu.memref_squeeze %dma_start3A_694 : memref<1x1x4x4096xf32, #tpu.memory_space<vmem>> -> memref<1x4x4096xf32, #tpu.memory_space<vmem>>
    tpu.enqueue_dma source(%dma_start3A_695 : memref<1x4x4096xf32, #tpu.memory_space<vmem>>) target(%dma_start3A_690 : memref<1x4x4096xf32, #tpu.memory_space<hbm>>) target_semaphore(%dma_start3A_688 : memref<!tpu.dma_semaphore, #tpu.memory_space<semaphore_mem>>)
    %dma_wait3A_696 = arith.constant 3 : i32
    %dma_wait3A_697 = arith.constant 3 : i32
    %dma_wait3A_698 = arith.constant 0 : i32
    %dma_wait3A_699 = arith.constant 0 : i32
    %dma_wait3A_700 = arith.constant 0 : i32
    %dma_wait3A_701 = tpu.memref_slice %arg6[%dma_wait3A_696, %dma_wait3A_698, %dma_wait3A_699, %dma_wait3A_700] : memref<6x1x4x4096xf32, #tpu.memory_space<vmem>> -> memref<1x1x4x4096xf32, #tpu.memory_space<vmem>>
    %dma_wait3A_702 = tpu.memref_squeeze %dma_wait3A_701 : memref<1x1x4x4096xf32, #tpu.memory_space<vmem>> -> memref<1x4x4096xf32, #tpu.memory_space<vmem>>
    %dma_wait3A_703 = arith.constant 0 : i32
    %dma_wait3A_704 = tpu.memref_slice %arg4[%div3A_138, %mul3A_471, %dma_wait3A_703] : memref<26x64x4096xf32, #tpu.memory_space<hbm>> -> memref<1x4x4096xf32, #tpu.memory_space<hbm>>
    %dma_wait3A_705 = tpu.memref_slice %arg8[%dma_wait3A_697] : memref<6x!tpu.dma_semaphore, #tpu.memory_space<semaphore_mem>> -> memref<1x!tpu.dma_semaphore, #tpu.memory_space<semaphore_mem>>
    %dma_wait3A_706 = tpu.memref_squeeze %dma_wait3A_705 : memref<1x!tpu.dma_semaphore, #tpu.memory_space<semaphore_mem>> -> memref<!tpu.dma_semaphore, #tpu.memory_space<semaphore_mem>>
    %dma_wait3A_707 = arith.constant 0 : i32
    %dma_wait3A_708 = tpu.memref_slice %arg4[%div3A_138, %mul3A_471, %dma_wait3A_707] : memref<26x64x4096xf32, #tpu.memory_space<hbm>> -> memref<1x4x4096xf32, #tpu.memory_space<hbm>>
    %dma_wait3A_709 = arith.constant 0 : i32
    %dma_wait3A_710 = arith.constant 0 : i32
    %dma_wait3A_711 = arith.constant 0 : i32
    %dma_wait3A_712 = tpu.memref_slice %arg6[%dma_wait3A_696, %dma_wait3A_709, %dma_wait3A_710, %dma_wait3A_711] : memref<6x1x4x4096xf32, #tpu.memory_space<vmem>> -> memref<1x1x4x4096xf32, #tpu.memory_space<vmem>>
    %dma_wait3A_713 = tpu.memref_squeeze %dma_wait3A_712 : memref<1x1x4x4096xf32, #tpu.memory_space<vmem>> -> memref<1x4x4096xf32, #tpu.memory_space<vmem>>
    tpu.wait_dma2 semaphore(%dma_wait3A_706 : memref<!tpu.dma_semaphore, #tpu.memory_space<semaphore_mem>>) src(%dma_wait3A_713 : memref<1x4x4096xf32, #tpu.memory_space<vmem>>) dst(%dma_wait3A_708 : memref<1x4x4096xf32, #tpu.memory_space<hbm>>)
    %mul3A_714 = arith.constant 13 : i32
    %mul3A_715 = arith.muli %add3A, %mul3A_714 : i32
    %add3A_716 = arith.constant 9 : i32
    %add3A_717 = arith.addi %mul3A_715, %add3A_716 : i32
    %div3A_718 = arith.constant 16 : i32
    %div3A_719 = arith.divsi %add3A_717, %div3A_718 : i32
    %mul3A_720 = arith.constant 16 : i32
    %mul3A_721 = arith.muli %div3A_719, %mul3A_720 : i32
    %sub3A_722 = arith.subi %add3A_717, %mul3A_721 : i32
    %div3A_723 = arith.constant 16 : i32
    %div3A_724 = arith.divsi %div3A_719, %div3A_723 : i32
    %mul3A_725 = arith.constant 16 : i32
    %mul3A_726 = arith.muli %div3A_724, %mul3A_725 : i32
    %get3A_727 = arith.index_cast %mul3A_726 : i32 to index
    %get3A_728 = tpu.vector_load %arg5[%get3A_727] {strides = array<i32>} : memref<32xi32, #tpu.memory_space<vmem>>, vector<16xi32>,
    %mul3A_729 = arith.constant 16 : i32
    %mul3A_730 = arith.muli %div3A_724, %mul3A_729 : i32
    %sub3A_731 = arith.subi %div3A_719, %mul3A_730 : i32
    %eq3A_732 = vector.broadcast %sub3A_731 : i32 to vector<16xi32>
    %eq3A_733 = arith.cmpi eq, %iota3A, %eq3A_732 : vector<16xi32>
    %jit3A_734 = arith.constant 0 : i32
    %broadcast_in_dim3A_735 = vector.broadcast %jit3A_734 : i32 to vector<16xi32>
    %select_n3A_736 = arith.select %eq3A_733, %get3A_728, %broadcast_in_dim3A_735 : vector<16xi1>, vector<16xi32>
    %reduce_sum3A_737 = arith.constant true
    %reduce_sum3A_738 = vector.broadcast %reduce_sum3A_737 : i1 to vector<16xi1>
    %reduce_sum3A_739 = tpu.scan <sum>, %select_n3A_736 masked %reduce_sum3A_738 : vector<16xi32>, vector<16xi1> -> vector<16xi32>
    %reduce_sum3A_740 = vector.extract %reduce_sum3A_739[15] : i32 from vector<16xi32>
    %mul3A_741 = arith.constant 4 : i32
    %mul3A_742 = arith.muli %sub3A_722, %mul3A_741 : i32
    %dma_start3A_743 = arith.constant 3 : i32
    %dma_start3A_744 = arith.constant 3 : i32
    %dma_start3A_745 = arith.constant 0 : i32
    %dma_start3A_746 = arith.constant 0 : i32
    %dma_start3A_747 = arith.constant 0 : i32
    %dma_start3A_748 = tpu.memref_slice %arg6[%dma_start3A_743, %dma_start3A_745, %dma_start3A_746, %dma_start3A_747] : memref<6x1x4x4096xf32, #tpu.memory_space<vmem>> -> memref<1x1x4x4096xf32, #tpu.memory_space<vmem>>
    %dma_start3A_749 = tpu.memref_squeeze %dma_start3A_748 : memref<1x1x4x4096xf32, #tpu.memory_space<vmem>> -> memref<1x4x4096xf32, #tpu.memory_space<vmem>>
    %dma_start3A_750 = arith.constant 0 : i32
    %dma_start3A_751 = tpu.memref_slice %arg2[%reduce_sum3A_740, %mul3A_742, %dma_start3A_750] : memref<100x64x4096xf32, #tpu.memory_space<hbm>> -> memref<1x4x4096xf32, #tpu.memory_space<hbm>>
    %dma_start3A_752 = tpu.memref_slice %arg7[%dma_start3A_744] : memref<6x!tpu.dma_semaphore, #tpu.memory_space<semaphore_mem>> -> memref<1x!tpu.dma_semaphore, #tpu.memory_space<semaphore_mem>>
    %dma_start3A_753 = tpu.memref_squeeze %dma_start3A_752 : memref<1x!tpu.dma_semaphore, #tpu.memory_space<semaphore_mem>> -> memref<!tpu.dma_semaphore, #tpu.memory_space<semaphore_mem>>
    %dma_start3A_754 = arith.constant 0 : i32
    %dma_start3A_755 = arith.constant 0 : i32
    %dma_start3A_756 = arith.constant 0 : i32
    %dma_start3A_757 = tpu.memref_slice %arg6[%dma_start3A_743, %dma_start3A_754, %dma_start3A_755, %dma_start3A_756] : memref<6x1x4x4096xf32, #tpu.memory_space<vmem>> -> memref<1x1x4x4096xf32, #tpu.memory_space<vmem>>
    %dma_start3A_758 = tpu.memref_squeeze %dma_start3A_757 : memref<1x1x4x4096xf32, #tpu.memory_space<vmem>> -> memref<1x4x4096xf32, #tpu.memory_space<vmem>>
    %dma_start3A_759 = arith.constant 0 : i32
    %dma_start3A_760 = tpu.memref_slice %arg2[%reduce_sum3A_740, %mul3A_742, %dma_start3A_759] : memref<100x64x4096xf32, #tpu.memory_space<hbm>> -> memref<1x4x4096xf32, #tpu.memory_space<hbm>>
    tpu.enqueue_dma source(%dma_start3A_760 : memref<1x4x4096xf32, #tpu.memory_space<hbm>>) target(%dma_start3A_758 : memref<1x4x4096xf32, #tpu.memory_space<vmem>>) target_semaphore(%dma_start3A_753 : memref<!tpu.dma_semaphore, #tpu.memory_space<semaphore_mem>>)
    %dma_wait3A_761 = arith.constant 0 : i32
    %dma_wait3A_762 = arith.constant 0 : i32
    %dma_wait3A_763 = arith.constant 0 : i32
    %dma_wait3A_764 = arith.constant 0 : i32
    %dma_wait3A_765 = arith.constant 0 : i32
    %dma_wait3A_766 = tpu.memref_slice %arg6[%dma_wait3A_761, %dma_wait3A_763, %dma_wait3A_764, %dma_wait3A_765] : memref<6x1x4x4096xf32, #tpu.memory_space<vmem>> -> memref<1x1x4x4096xf32, #tpu.memory_space<vmem>>
    %dma_wait3A_767 = tpu.memref_squeeze %dma_wait3A_766 : memref<1x1x4x4096xf32, #tpu.memory_space<vmem>> -> memref<1x4x4096xf32, #tpu.memory_space<vmem>>
    %dma_wait3A_768 = arith.constant 0 : i32
    %dma_wait3A_769 = tpu.memref_slice %arg2[%reduce_sum3A_431, %mul3A_433, %dma_wait3A_768] : memref<100x64x4096xf32, #tpu.memory_space<hbm>> -> memref<1x4x4096xf32, #tpu.memory_space<hbm>>
    %dma_wait3A_770 = tpu.memref_slice %arg7[%dma_wait3A_762] : memref<6x!tpu.dma_semaphore, #tpu.memory_space<semaphore_mem>> -> memref<1x!tpu.dma_semaphore, #tpu.memory_space<semaphore_mem>>
    %dma_wait3A_771 = tpu.memref_squeeze %dma_wait3A_770 : memref<1x!tpu.dma_semaphore, #tpu.memory_space<semaphore_mem>> -> memref<!tpu.dma_semaphore, #tpu.memory_space<semaphore_mem>>
    %dma_wait3A_772 = arith.constant 0 : i32
    %dma_wait3A_773 = arith.constant 0 : i32
    %dma_wait3A_774 = arith.constant 0 : i32
    %dma_wait3A_775 = tpu.memref_slice %arg6[%dma_wait3A_761, %dma_wait3A_772, %dma_wait3A_773, %dma_wait3A_774] : memref<6x1x4x4096xf32, #tpu.memory_space<vmem>> -> memref<1x1x4x4096xf32, #tpu.memory_space<vmem>>
    %dma_wait3A_776 = tpu.memref_squeeze %dma_wait3A_775 : memref<1x1x4x4096xf32, #tpu.memory_space<vmem>> -> memref<1x4x4096xf32, #tpu.memory_space<vmem>>
    %dma_wait3A_777 = arith.constant 0 : i32
    %dma_wait3A_778 = tpu.memref_slice %arg2[%reduce_sum3A_431, %mul3A_433, %dma_wait3A_777] : memref<100x64x4096xf32, #tpu.memory_space<hbm>> -> memref<1x4x4096xf32, #tpu.memory_space<hbm>>
    tpu.wait_dma2 semaphore(%dma_wait3A_771 : memref<!tpu.dma_semaphore, #tpu.memory_space<semaphore_mem>>) src(%dma_wait3A_778 : memref<1x4x4096xf32, #tpu.memory_space<hbm>>) dst(%dma_wait3A_776 : memref<1x4x4096xf32, #tpu.memory_space<vmem>>)
    %mul3A_779 = arith.constant 4 : i32
    %mul3A_780 = arith.muli %sub3A_413, %mul3A_779 : i32
    %dma_start3A_781 = arith.constant 0 : i32
    %dma_start3A_782 = arith.constant 0 : i32
    %dma_start3A_783 = arith.constant 0 : i32
    %dma_start3A_784 = arith.constant 0 : i32
    %dma_start3A_785 = arith.constant 0 : i32
    %dma_start3A_786 = tpu.memref_slice %arg6[%dma_start3A_781, %dma_start3A_783, %dma_start3A_784, %dma_start3A_785] : memref<6x1x4x4096xf32, #tpu.memory_space<vmem>> -> memref<1x1x4x4096xf32, #tpu.memory_space<vmem>>
    %dma_start3A_787 = tpu.memref_squeeze %dma_start3A_786 : memref<1x1x4x4096xf32, #tpu.memory_space<vmem>> -> memref<1x4x4096xf32, #tpu.memory_space<vmem>>
    %dma_start3A_788 = arith.constant 0 : i32
    %dma_start3A_789 = tpu.memref_slice %arg4[%div3A_410, %mul3A_780, %dma_start3A_788] : memref<26x64x4096xf32, #tpu.memory_space<hbm>> -> memref<1x4x4096xf32, #tpu.memory_space<hbm>>
    %dma_start3A_790 = tpu.memref_slice %arg8[%dma_start3A_782] : memref<6x!tpu.dma_semaphore, #tpu.memory_space<semaphore_mem>> -> memref<1x!tpu.dma_semaphore, #tpu.memory_space<semaphore_mem>>
    %dma_start3A_791 = tpu.memref_squeeze %dma_start3A_790 : memref<1x!tpu.dma_semaphore, #tpu.memory_space<semaphore_mem>> -> memref<!tpu.dma_semaphore, #tpu.memory_space<semaphore_mem>>
    %dma_start3A_792 = arith.constant 0 : i32
    %dma_start3A_793 = tpu.memref_slice %arg4[%div3A_410, %mul3A_780, %dma_start3A_792] : memref<26x64x4096xf32, #tpu.memory_space<hbm>> -> memref<1x4x4096xf32, #tpu.memory_space<hbm>>
    %dma_start3A_794 = arith.constant 0 : i32
    %dma_start3A_795 = arith.constant 0 : i32
    %dma_start3A_796 = arith.constant 0 : i32
    %dma_start3A_797 = tpu.memref_slice %arg6[%dma_start3A_781, %dma_start3A_794, %dma_start3A_795, %dma_start3A_796] : memref<6x1x4x4096xf32, #tpu.memory_space<vmem>> -> memref<1x1x4x4096xf32, #tpu.memory_space<vmem>>
    %dma_start3A_798 = tpu.memref_squeeze %dma_start3A_797 : memref<1x1x4x4096xf32, #tpu.memory_space<vmem>> -> memref<1x4x4096xf32, #tpu.memory_space<vmem>>
    tpu.enqueue_dma source(%dma_start3A_798 : memref<1x4x4096xf32, #tpu.memory_space<vmem>>) target(%dma_start3A_793 : memref<1x4x4096xf32, #tpu.memory_space<hbm>>) target_semaphore(%dma_start3A_791 : memref<!tpu.dma_semaphore, #tpu.memory_space<semaphore_mem>>)
    %dma_wait3A_799 = arith.constant 4 : i32
    %dma_wait3A_800 = arith.constant 4 : i32
    %dma_wait3A_801 = arith.constant 0 : i32
    %dma_wait3A_802 = arith.constant 0 : i32
    %dma_wait3A_803 = arith.constant 0 : i32
    %dma_wait3A_804 = tpu.memref_slice %arg6[%dma_wait3A_799, %dma_wait3A_801, %dma_wait3A_802, %dma_wait3A_803] : memref<6x1x4x4096xf32, #tpu.memory_space<vmem>> -> memref<1x1x4x4096xf32, #tpu.memory_space<vmem>>
    %dma_wait3A_805 = tpu.memref_squeeze %dma_wait3A_804 : memref<1x1x4x4096xf32, #tpu.memory_space<vmem>> -> memref<1x4x4096xf32, #tpu.memory_space<vmem>>
    %dma_wait3A_806 = arith.constant 0 : i32
    %dma_wait3A_807 = tpu.memref_slice %arg4[%div3A_222, %mul3A_574, %dma_wait3A_806] : memref<26x64x4096xf32, #tpu.memory_space<hbm>> -> memref<1x4x4096xf32, #tpu.memory_space<hbm>>
    %dma_wait3A_808 = tpu.memref_slice %arg8[%dma_wait3A_800] : memref<6x!tpu.dma_semaphore, #tpu.memory_space<semaphore_mem>> -> memref<1x!tpu.dma_semaphore, #tpu.memory_space<semaphore_mem>>
    %dma_wait3A_809 = tpu.memref_squeeze %dma_wait3A_808 : memref<1x!tpu.dma_semaphore, #tpu.memory_space<semaphore_mem>> -> memref<!tpu.dma_semaphore, #tpu.memory_space<semaphore_mem>>
    %dma_wait3A_810 = arith.constant 0 : i32
    %dma_wait3A_811 = tpu.memref_slice %arg4[%div3A_222, %mul3A_574, %dma_wait3A_810] : memref<26x64x4096xf32, #tpu.memory_space<hbm>> -> memref<1x4x4096xf32, #tpu.memory_space<hbm>>
    %dma_wait3A_812 = arith.constant 0 : i32
    %dma_wait3A_813 = arith.constant 0 : i32
    %dma_wait3A_814 = arith.constant 0 : i32
    %dma_wait3A_815 = tpu.memref_slice %arg6[%dma_wait3A_799, %dma_wait3A_812, %dma_wait3A_813, %dma_wait3A_814] : memref<6x1x4x4096xf32, #tpu.memory_space<vmem>> -> memref<1x1x4x4096xf32, #tpu.memory_space<vmem>>
    %dma_wait3A_816 = tpu.memref_squeeze %dma_wait3A_815 : memref<1x1x4x4096xf32, #tpu.memory_space<vmem>> -> memref<1x4x4096xf32, #tpu.memory_space<vmem>>
    tpu.wait_dma2 semaphore(%dma_wait3A_809 : memref<!tpu.dma_semaphore, #tpu.memory_space<semaphore_mem>>) src(%dma_wait3A_816 : memref<1x4x4096xf32, #tpu.memory_space<vmem>>) dst(%dma_wait3A_811 : memref<1x4x4096xf32, #tpu.memory_space<hbm>>)
    %mul3A_817 = arith.constant 13 : i32
    %mul3A_818 = arith.muli %add3A, %mul3A_817 : i32
    %add3A_819 = arith.constant 10 : i32
    %add3A_820 = arith.addi %mul3A_818, %add3A_819 : i32
    %div3A_821 = arith.constant 16 : i32
    %div3A_822 = arith.divsi %add3A_820, %div3A_821 : i32
    %mul3A_823 = arith.constant 16 : i32
    %mul3A_824 = arith.muli %div3A_822, %mul3A_823 : i32
    %sub3A_825 = arith.subi %add3A_820, %mul3A_824 : i32
    %div3A_826 = arith.constant 16 : i32
    %div3A_827 = arith.divsi %div3A_822, %div3A_826 : i32
    %mul3A_828 = arith.constant 16 : i32
    %mul3A_829 = arith.muli %div3A_827, %mul3A_828 : i32
    %get3A_830 = arith.index_cast %mul3A_829 : i32 to index
    %get3A_831 = tpu.vector_load %arg5[%get3A_830] {strides = array<i32>} : memref<32xi32, #tpu.memory_space<vmem>>, vector<16xi32>,
    %mul3A_832 = arith.constant 16 : i32
    %mul3A_833 = arith.muli %div3A_827, %mul3A_832 : i32
    %sub3A_834 = arith.subi %div3A_822, %mul3A_833 : i32
    %eq3A_835 = vector.broadcast %sub3A_834 : i32 to vector<16xi32>
    %eq3A_836 = arith.cmpi eq, %iota3A, %eq3A_835 : vector<16xi32>
    %jit3A_837 = arith.constant 0 : i32
    %broadcast_in_dim3A_838 = vector.broadcast %jit3A_837 : i32 to vector<16xi32>
    %select_n3A_839 = arith.select %eq3A_836, %get3A_831, %broadcast_in_dim3A_838 : vector<16xi1>, vector<16xi32>
    %reduce_sum3A_840 = arith.constant true
    %reduce_sum3A_841 = vector.broadcast %reduce_sum3A_840 : i1 to vector<16xi1>
    %reduce_sum3A_842 = tpu.scan <sum>, %select_n3A_839 masked %reduce_sum3A_841 : vector<16xi32>, vector<16xi1> -> vector<16xi32>
    %reduce_sum3A_843 = vector.extract %reduce_sum3A_842[15] : i32 from vector<16xi32>
    %mul3A_844 = arith.constant 4 : i32
    %mul3A_845 = arith.muli %sub3A_825, %mul3A_844 : i32
    %dma_start3A_846 = arith.constant 4 : i32
    %dma_start3A_847 = arith.constant 4 : i32
    %dma_start3A_848 = arith.constant 0 : i32
    %dma_start3A_849 = arith.constant 0 : i32
    %dma_start3A_850 = arith.constant 0 : i32
    %dma_start3A_851 = tpu.memref_slice %arg6[%dma_start3A_846, %dma_start3A_848, %dma_start3A_849, %dma_start3A_850] : memref<6x1x4x4096xf32, #tpu.memory_space<vmem>> -> memref<1x1x4x4096xf32, #tpu.memory_space<vmem>>
    %dma_start3A_852 = tpu.memref_squeeze %dma_start3A_851 : memref<1x1x4x4096xf32, #tpu.memory_space<vmem>> -> memref<1x4x4096xf32, #tpu.memory_space<vmem>>
    %dma_start3A_853 = arith.constant 0 : i32
    %dma_start3A_854 = tpu.memref_slice %arg2[%reduce_sum3A_843, %mul3A_845, %dma_start3A_853] : memref<100x64x4096xf32, #tpu.memory_space<hbm>> -> memref<1x4x4096xf32, #tpu.memory_space<hbm>>
    %dma_start3A_855 = tpu.memref_slice %arg7[%dma_start3A_847] : memref<6x!tpu.dma_semaphore, #tpu.memory_space<semaphore_mem>> -> memref<1x!tpu.dma_semaphore, #tpu.memory_space<semaphore_mem>>
    %dma_start3A_856 = tpu.memref_squeeze %dma_start3A_855 : memref<1x!tpu.dma_semaphore, #tpu.memory_space<semaphore_mem>> -> memref<!tpu.dma_semaphore, #tpu.memory_space<semaphore_mem>>
    %dma_start3A_857 = arith.constant 0 : i32
    %dma_start3A_858 = arith.constant 0 : i32
    %dma_start3A_859 = arith.constant 0 : i32
    %dma_start3A_860 = tpu.memref_slice %arg6[%dma_start3A_846, %dma_start3A_857, %dma_start3A_858, %dma_start3A_859] : memref<6x1x4x4096xf32, #tpu.memory_space<vmem>> -> memref<1x1x4x4096xf32, #tpu.memory_space<vmem>>
    %dma_start3A_861 = tpu.memref_squeeze %dma_start3A_860 : memref<1x1x4x4096xf32, #tpu.memory_space<vmem>> -> memref<1x4x4096xf32, #tpu.memory_space<vmem>>
    %dma_start3A_862 = arith.constant 0 : i32
    %dma_start3A_863 = tpu.memref_slice %arg2[%reduce_sum3A_843, %mul3A_845, %dma_start3A_862] : memref<100x64x4096xf32, #tpu.memory_space<hbm>> -> memref<1x4x4096xf32, #tpu.memory_space<hbm>>
    tpu.enqueue_dma source(%dma_start3A_863 : memref<1x4x4096xf32, #tpu.memory_space<hbm>>) target(%dma_start3A_861 : memref<1x4x4096xf32, #tpu.memory_space<vmem>>) target_semaphore(%dma_start3A_856 : memref<!tpu.dma_semaphore, #tpu.memory_space<semaphore_mem>>)
    %dma_wait3A_864 = arith.constant 1 : i32
    %dma_wait3A_865 = arith.constant 1 : i32
    %dma_wait3A_866 = arith.constant 0 : i32
    %dma_wait3A_867 = arith.constant 0 : i32
    %dma_wait3A_868 = arith.constant 0 : i32
    %dma_wait3A_869 = tpu.memref_slice %arg6[%dma_wait3A_864, %dma_wait3A_866, %dma_wait3A_867, %dma_wait3A_868] : memref<6x1x4x4096xf32, #tpu.memory_space<vmem>> -> memref<1x1x4x4096xf32, #tpu.memory_space<vmem>>
    %dma_wait3A_870 = tpu.memref_squeeze %dma_wait3A_869 : memref<1x1x4x4096xf32, #tpu.memory_space<vmem>> -> memref<1x4x4096xf32, #tpu.memory_space<vmem>>
    %dma_wait3A_871 = arith.constant 0 : i32
    %dma_wait3A_872 = tpu.memref_slice %arg2[%reduce_sum3A_534, %mul3A_536, %dma_wait3A_871] : memref<100x64x4096xf32, #tpu.memory_space<hbm>> -> memref<1x4x4096xf32, #tpu.memory_space<hbm>>
    %dma_wait3A_873 = tpu.memref_slice %arg7[%dma_wait3A_865] : memref<6x!tpu.dma_semaphore, #tpu.memory_space<semaphore_mem>> -> memref<1x!tpu.dma_semaphore, #tpu.memory_space<semaphore_mem>>
    %dma_wait3A_874 = tpu.memref_squeeze %dma_wait3A_873 : memref<1x!tpu.dma_semaphore, #tpu.memory_space<semaphore_mem>> -> memref<!tpu.dma_semaphore, #tpu.memory_space<semaphore_mem>>
    %dma_wait3A_875 = arith.constant 0 : i32
    %dma_wait3A_876 = arith.constant 0 : i32
    %dma_wait3A_877 = arith.constant 0 : i32
    %dma_wait3A_878 = tpu.memref_slice %arg6[%dma_wait3A_864, %dma_wait3A_875, %dma_wait3A_876, %dma_wait3A_877] : memref<6x1x4x4096xf32, #tpu.memory_space<vmem>> -> memref<1x1x4x4096xf32, #tpu.memory_space<vmem>>
    %dma_wait3A_879 = tpu.memref_squeeze %dma_wait3A_878 : memref<1x1x4x4096xf32, #tpu.memory_space<vmem>> -> memref<1x4x4096xf32, #tpu.memory_space<vmem>>
    %dma_wait3A_880 = arith.constant 0 : i32
    %dma_wait3A_881 = tpu.memref_slice %arg2[%reduce_sum3A_534, %mul3A_536, %dma_wait3A_880] : memref<100x64x4096xf32, #tpu.memory_space<hbm>> -> memref<1x4x4096xf32, #tpu.memory_space<hbm>>
    tpu.wait_dma2 semaphore(%dma_wait3A_874 : memref<!tpu.dma_semaphore, #tpu.memory_space<semaphore_mem>>) src(%dma_wait3A_881 : memref<1x4x4096xf32, #tpu.memory_space<hbm>>) dst(%dma_wait3A_879 : memref<1x4x4096xf32, #tpu.memory_space<vmem>>)
    %mul3A_882 = arith.constant 4 : i32
    %mul3A_883 = arith.muli %sub3A_516, %mul3A_882 : i32
    %dma_start3A_884 = arith.constant 1 : i32
    %dma_start3A_885 = arith.constant 1 : i32
    %dma_start3A_886 = arith.constant 0 : i32
    %dma_start3A_887 = arith.constant 0 : i32
    %dma_start3A_888 = arith.constant 0 : i32
    %dma_start3A_889 = tpu.memref_slice %arg6[%dma_start3A_884, %dma_start3A_886, %dma_start3A_887, %dma_start3A_888] : memref<6x1x4x4096xf32, #tpu.memory_space<vmem>> -> memref<1x1x4x4096xf32, #tpu.memory_space<vmem>>
    %dma_start3A_890 = tpu.memref_squeeze %dma_start3A_889 : memref<1x1x4x4096xf32, #tpu.memory_space<vmem>> -> memref<1x4x4096xf32, #tpu.memory_space<vmem>>
    %dma_start3A_891 = arith.constant 0 : i32
    %dma_start3A_892 = tpu.memref_slice %arg4[%div3A_513, %mul3A_883, %dma_start3A_891] : memref<26x64x4096xf32, #tpu.memory_space<hbm>> -> memref<1x4x4096xf32, #tpu.memory_space<hbm>>
    %dma_start3A_893 = tpu.memref_slice %arg8[%dma_start3A_885] : memref<6x!tpu.dma_semaphore, #tpu.memory_space<semaphore_mem>> -> memref<1x!tpu.dma_semaphore, #tpu.memory_space<semaphore_mem>>
    %dma_start3A_894 = tpu.memref_squeeze %dma_start3A_893 : memref<1x!tpu.dma_semaphore, #tpu.memory_space<semaphore_mem>> -> memref<!tpu.dma_semaphore, #tpu.memory_space<semaphore_mem>>
    %dma_start3A_895 = arith.constant 0 : i32
    %dma_start3A_896 = tpu.memref_slice %arg4[%div3A_513, %mul3A_883, %dma_start3A_895] : memref<26x64x4096xf32, #tpu.memory_space<hbm>> -> memref<1x4x4096xf32, #tpu.memory_space<hbm>>
    %dma_start3A_897 = arith.constant 0 : i32
    %dma_start3A_898 = arith.constant 0 : i32
    %dma_start3A_899 = arith.constant 0 : i32
    %dma_start3A_900 = tpu.memref_slice %arg6[%dma_start3A_884, %dma_start3A_897, %dma_start3A_898, %dma_start3A_899] : memref<6x1x4x4096xf32, #tpu.memory_space<vmem>> -> memref<1x1x4x4096xf32, #tpu.memory_space<vmem>>
    %dma_start3A_901 = tpu.memref_squeeze %dma_start3A_900 : memref<1x1x4x4096xf32, #tpu.memory_space<vmem>> -> memref<1x4x4096xf32, #tpu.memory_space<vmem>>
    tpu.enqueue_dma source(%dma_start3A_901 : memref<1x4x4096xf32, #tpu.memory_space<vmem>>) target(%dma_start3A_896 : memref<1x4x4096xf32, #tpu.memory_space<hbm>>) target_semaphore(%dma_start3A_894 : memref<!tpu.dma_semaphore, #tpu.memory_space<semaphore_mem>>)
    %dma_wait3A_902 = arith.constant 5 : i32
    %dma_wait3A_903 = arith.constant 5 : i32
    %dma_wait3A_904 = arith.constant 0 : i32
    %dma_wait3A_905 = arith.constant 0 : i32
    %dma_wait3A_906 = arith.constant 0 : i32
    %dma_wait3A_907 = tpu.memref_slice %arg6[%dma_wait3A_902, %dma_wait3A_904, %dma_wait3A_905, %dma_wait3A_906] : memref<6x1x4x4096xf32, #tpu.memory_space<vmem>> -> memref<1x1x4x4096xf32, #tpu.memory_space<vmem>>
    %dma_wait3A_908 = tpu.memref_squeeze %dma_wait3A_907 : memref<1x1x4x4096xf32, #tpu.memory_space<vmem>> -> memref<1x4x4096xf32, #tpu.memory_space<vmem>>
    %dma_wait3A_909 = arith.constant 0 : i32
    %dma_wait3A_910 = tpu.memref_slice %arg4[%div3A_307, %mul3A_677, %dma_wait3A_909] : memref<26x64x4096xf32, #tpu.memory_space<hbm>> -> memref<1x4x4096xf32, #tpu.memory_space<hbm>>
    %dma_wait3A_911 = tpu.memref_slice %arg8[%dma_wait3A_903] : memref<6x!tpu.dma_semaphore, #tpu.memory_space<semaphore_mem>> -> memref<1x!tpu.dma_semaphore, #tpu.memory_space<semaphore_mem>>
    %dma_wait3A_912 = tpu.memref_squeeze %dma_wait3A_911 : memref<1x!tpu.dma_semaphore, #tpu.memory_space<semaphore_mem>> -> memref<!tpu.dma_semaphore, #tpu.memory_space<semaphore_mem>>
    %dma_wait3A_913 = arith.constant 0 : i32
    %dma_wait3A_914 = tpu.memref_slice %arg4[%div3A_307, %mul3A_677, %dma_wait3A_913] : memref<26x64x4096xf32, #tpu.memory_space<hbm>> -> memref<1x4x4096xf32, #tpu.memory_space<hbm>>
    %dma_wait3A_915 = arith.constant 0 : i32
    %dma_wait3A_916 = arith.constant 0 : i32
    %dma_wait3A_917 = arith.constant 0 : i32
    %dma_wait3A_918 = tpu.memref_slice %arg6[%dma_wait3A_902, %dma_wait3A_915, %dma_wait3A_916, %dma_wait3A_917] : memref<6x1x4x4096xf32, #tpu.memory_space<vmem>> -> memref<1x1x4x4096xf32, #tpu.memory_space<vmem>>
    %dma_wait3A_919 = tpu.memref_squeeze %dma_wait3A_918 : memref<1x1x4x4096xf32, #tpu.memory_space<vmem>> -> memref<1x4x4096xf32, #tpu.memory_space<vmem>>
    tpu.wait_dma2 semaphore(%dma_wait3A_912 : memref<!tpu.dma_semaphore, #tpu.memory_space<semaphore_mem>>) src(%dma_wait3A_919 : memref<1x4x4096xf32, #tpu.memory_space<vmem>>) dst(%dma_wait3A_914 : memref<1x4x4096xf32, #tpu.memory_space<hbm>>)
    %mul3A_920 = arith.constant 13 : i32
    %mul3A_921 = arith.muli %add3A, %mul3A_920 : i32
    %add3A_922 = arith.constant 11 : i32
    %add3A_923 = arith.addi %mul3A_921, %add3A_922 : i32
    %div3A_924 = arith.constant 16 : i32
    %div3A_925 = arith.divsi %add3A_923, %div3A_924 : i32
    %mul3A_926 = arith.constant 16 : i32
    %mul3A_927 = arith.muli %div3A_925, %mul3A_926 : i32
    %sub3A_928 = arith.subi %add3A_923, %mul3A_927 : i32
    %div3A_929 = arith.constant 16 : i32
    %div3A_930 = arith.divsi %div3A_925, %div3A_929 : i32
    %mul3A_931 = arith.constant 16 : i32
    %mul3A_932 = arith.muli %div3A_930, %mul3A_931 : i32
    %get3A_933 = arith.index_cast %mul3A_932 : i32 to index
    %get3A_934 = tpu.vector_load %arg5[%get3A_933] {strides = array<i32>} : memref<32xi32, #tpu.memory_space<vmem>>, vector<16xi32>,
    %mul3A_935 = arith.constant 16 : i32
    %mul3A_936 = arith.muli %div3A_930, %mul3A_935 : i32
    %sub3A_937 = arith.subi %div3A_925, %mul3A_936 : i32
    %eq3A_938 = vector.broadcast %sub3A_937 : i32 to vector<16xi32>
    %eq3A_939 = arith.cmpi eq, %iota3A, %eq3A_938 : vector<16xi32>
    %jit3A_940 = arith.constant 0 : i32
    %broadcast_in_dim3A_941 = vector.broadcast %jit3A_940 : i32 to vector<16xi32>
    %select_n3A_942 = arith.select %eq3A_939, %get3A_934, %broadcast_in_dim3A_941 : vector<16xi1>, vector<16xi32>
    %reduce_sum3A_943 = arith.constant true
    %reduce_sum3A_944 = vector.broadcast %reduce_sum3A_943 : i1 to vector<16xi1>
    %reduce_sum3A_945 = tpu.scan <sum>, %select_n3A_942 masked %reduce_sum3A_944 : vector<16xi32>, vector<16xi1> -> vector<16xi32>
    %reduce_sum3A_946 = vector.extract %reduce_sum3A_945[15] : i32 from vector<16xi32>
    %mul3A_947 = arith.constant 4 : i32
    %mul3A_948 = arith.muli %sub3A_928, %mul3A_947 : i32
    %dma_start3A_949 = arith.constant 5 : i32
    %dma_start3A_950 = arith.constant 5 : i32
    %dma_start3A_951 = arith.constant 0 : i32
    %dma_start3A_952 = arith.constant 0 : i32
    %dma_start3A_953 = arith.constant 0 : i32
    %dma_start3A_954 = tpu.memref_slice %arg6[%dma_start3A_949, %dma_start3A_951, %dma_start3A_952, %dma_start3A_953] : memref<6x1x4x4096xf32, #tpu.memory_space<vmem>> -> memref<1x1x4x4096xf32, #tpu.memory_space<vmem>>
    %dma_start3A_955 = tpu.memref_squeeze %dma_start3A_954 : memref<1x1x4x4096xf32, #tpu.memory_space<vmem>> -> memref<1x4x4096xf32, #tpu.memory_space<vmem>>
    %dma_start3A_956 = arith.constant 0 : i32
    %dma_start3A_957 = tpu.memref_slice %arg2[%reduce_sum3A_946, %mul3A_948, %dma_start3A_956] : memref<100x64x4096xf32, #tpu.memory_space<hbm>> -> memref<1x4x4096xf32, #tpu.memory_space<hbm>>
    %dma_start3A_958 = tpu.memref_slice %arg7[%dma_start3A_950] : memref<6x!tpu.dma_semaphore, #tpu.memory_space<semaphore_mem>> -> memref<1x!tpu.dma_semaphore, #tpu.memory_space<semaphore_mem>>
    %dma_start3A_959 = tpu.memref_squeeze %dma_start3A_958 : memref<1x!tpu.dma_semaphore, #tpu.memory_space<semaphore_mem>> -> memref<!tpu.dma_semaphore, #tpu.memory_space<semaphore_mem>>
    %dma_start3A_960 = arith.constant 0 : i32
    %dma_start3A_961 = arith.constant 0 : i32
    %dma_start3A_962 = arith.constant 0 : i32
    %dma_start3A_963 = tpu.memref_slice %arg6[%dma_start3A_949, %dma_start3A_960, %dma_start3A_961, %dma_start3A_962] : memref<6x1x4x4096xf32, #tpu.memory_space<vmem>> -> memref<1x1x4x4096xf32, #tpu.memory_space<vmem>>
    %dma_start3A_964 = tpu.memref_squeeze %dma_start3A_963 : memref<1x1x4x4096xf32, #tpu.memory_space<vmem>> -> memref<1x4x4096xf32, #tpu.memory_space<vmem>>
    %dma_start3A_965 = arith.constant 0 : i32
    %dma_start3A_966 = tpu.memref_slice %arg2[%reduce_sum3A_946, %mul3A_948, %dma_start3A_965] : memref<100x64x4096xf32, #tpu.memory_space<hbm>> -> memref<1x4x4096xf32, #tpu.memory_space<hbm>>
    tpu.enqueue_dma source(%dma_start3A_966 : memref<1x4x4096xf32, #tpu.memory_space<hbm>>) target(%dma_start3A_964 : memref<1x4x4096xf32, #tpu.memory_space<vmem>>) target_semaphore(%dma_start3A_959 : memref<!tpu.dma_semaphore, #tpu.memory_space<semaphore_mem>>)
    %dma_wait3A_967 = arith.constant 2 : i32
    %dma_wait3A_968 = arith.constant 2 : i32
    %dma_wait3A_969 = arith.constant 0 : i32
    %dma_wait3A_970 = arith.constant 0 : i32
    %dma_wait3A_971 = arith.constant 0 : i32
    %dma_wait3A_972 = tpu.memref_slice %arg6[%dma_wait3A_967, %dma_wait3A_969, %dma_wait3A_970, %dma_wait3A_971] : memref<6x1x4x4096xf32, #tpu.memory_space<vmem>> -> memref<1x1x4x4096xf32, #tpu.memory_space<vmem>>
    %dma_wait3A_973 = tpu.memref_squeeze %dma_wait3A_972 : memref<1x1x4x4096xf32, #tpu.memory_space<vmem>> -> memref<1x4x4096xf32, #tpu.memory_space<vmem>>
    %dma_wait3A_974 = arith.constant 0 : i32
    %dma_wait3A_975 = tpu.memref_slice %arg2[%reduce_sum3A_637, %mul3A_639, %dma_wait3A_974] : memref<100x64x4096xf32, #tpu.memory_space<hbm>> -> memref<1x4x4096xf32, #tpu.memory_space<hbm>>
    %dma_wait3A_976 = tpu.memref_slice %arg7[%dma_wait3A_968] : memref<6x!tpu.dma_semaphore, #tpu.memory_space<semaphore_mem>> -> memref<1x!tpu.dma_semaphore, #tpu.memory_space<semaphore_mem>>
    %dma_wait3A_977 = tpu.memref_squeeze %dma_wait3A_976 : memref<1x!tpu.dma_semaphore, #tpu.memory_space<semaphore_mem>> -> memref<!tpu.dma_semaphore, #tpu.memory_space<semaphore_mem>>
    %dma_wait3A_978 = arith.constant 0 : i32
    %dma_wait3A_979 = arith.constant 0 : i32
    %dma_wait3A_980 = arith.constant 0 : i32
    %dma_wait3A_981 = tpu.memref_slice %arg6[%dma_wait3A_967, %dma_wait3A_978, %dma_wait3A_979, %dma_wait3A_980] : memref<6x1x4x4096xf32, #tpu.memory_space<vmem>> -> memref<1x1x4x4096xf32, #tpu.memory_space<vmem>>
    %dma_wait3A_982 = tpu.memref_squeeze %dma_wait3A_981 : memref<1x1x4x4096xf32, #tpu.memory_space<vmem>> -> memref<1x4x4096xf32, #tpu.memory_space<vmem>>
    %dma_wait3A_983 = arith.constant 0 : i32
    %dma_wait3A_984 = tpu.memref_slice %arg2[%reduce_sum3A_637, %mul3A_639, %dma_wait3A_983] : memref<100x64x4096xf32, #tpu.memory_space<hbm>> -> memref<1x4x4096xf32, #tpu.memory_space<hbm>>
    tpu.wait_dma2 semaphore(%dma_wait3A_977 : memref<!tpu.dma_semaphore, #tpu.memory_space<semaphore_mem>>) src(%dma_wait3A_984 : memref<1x4x4096xf32, #tpu.memory_space<hbm>>) dst(%dma_wait3A_982 : memref<1x4x4096xf32, #tpu.memory_space<vmem>>)
    %mul3A_985 = arith.constant 4 : i32
    %mul3A_986 = arith.muli %sub3A_619, %mul3A_985 : i32
    %dma_start3A_987 = arith.constant 2 : i32
    %dma_start3A_988 = arith.constant 2 : i32
    %dma_start3A_989 = arith.constant 0 : i32
    %dma_start3A_990 = arith.constant 0 : i32
    %dma_start3A_991 = arith.constant 0 : i32
    %dma_start3A_992 = tpu.memref_slice %arg6[%dma_start3A_987, %dma_start3A_989, %dma_start3A_990, %dma_start3A_991] : memref<6x1x4x4096xf32, #tpu.memory_space<vmem>> -> memref<1x1x4x4096xf32, #tpu.memory_space<vmem>>
    %dma_start3A_993 = tpu.memref_squeeze %dma_start3A_992 : memref<1x1x4x4096xf32, #tpu.memory_space<vmem>> -> memref<1x4x4096xf32, #tpu.memory_space<vmem>>
    %dma_start3A_994 = arith.constant 0 : i32
    %dma_start3A_995 = tpu.memref_slice %arg4[%div3A_616, %mul3A_986, %dma_start3A_994] : memref<26x64x4096xf32, #tpu.memory_space<hbm>> -> memref<1x4x4096xf32, #tpu.memory_space<hbm>>
    %dma_start3A_996 = tpu.memref_slice %arg8[%dma_start3A_988] : memref<6x!tpu.dma_semaphore, #tpu.memory_space<semaphore_mem>> -> memref<1x!tpu.dma_semaphore, #tpu.memory_space<semaphore_mem>>
    %dma_start3A_997 = tpu.memref_squeeze %dma_start3A_996 : memref<1x!tpu.dma_semaphore, #tpu.memory_space<semaphore_mem>> -> memref<!tpu.dma_semaphore, #tpu.memory_space<semaphore_mem>>
    %dma_start3A_998 = arith.constant 0 : i32
    %dma_start3A_999 = tpu.memref_slice %arg4[%div3A_616, %mul3A_986, %dma_start3A_998] : memref<26x64x4096xf32, #tpu.memory_space<hbm>> -> memref<1x4x4096xf32, #tpu.memory_space<hbm>>
    %dma_start3A_1000 = arith.constant 0 : i32
    %dma_start3A_1001 = arith.constant 0 : i32
    %dma_start3A_1002 = arith.constant 0 : i32
    %dma_start3A_1003 = tpu.memref_slice %arg6[%dma_start3A_987, %dma_start3A_1000, %dma_start3A_1001, %dma_start3A_1002] : memref<6x1x4x4096xf32, #tpu.memory_space<vmem>> -> memref<1x1x4x4096xf32, #tpu.memory_space<vmem>>
    %dma_start3A_1004 = tpu.memref_squeeze %dma_start3A_1003 : memref<1x1x4x4096xf32, #tpu.memory_space<vmem>> -> memref<1x4x4096xf32, #tpu.memory_space<vmem>>
    tpu.enqueue_dma source(%dma_start3A_1004 : memref<1x4x4096xf32, #tpu.memory_space<vmem>>) target(%dma_start3A_999 : memref<1x4x4096xf32, #tpu.memory_space<hbm>>) target_semaphore(%dma_start3A_997 : memref<!tpu.dma_semaphore, #tpu.memory_space<semaphore_mem>>)
    %dma_wait3A_1005 = arith.constant 0 : i32
    %dma_wait3A_1006 = arith.constant 0 : i32
    %dma_wait3A_1007 = arith.constant 0 : i32
    %dma_wait3A_1008 = arith.constant 0 : i32
    %dma_wait3A_1009 = arith.constant 0 : i32
    %dma_wait3A_1010 = tpu.memref_slice %arg6[%dma_wait3A_1005, %dma_wait3A_1007, %dma_wait3A_1008, %dma_wait3A_1009] : memref<6x1x4x4096xf32, #tpu.memory_space<vmem>> -> memref<1x1x4x4096xf32, #tpu.memory_space<vmem>>
    %dma_wait3A_1011 = tpu.memref_squeeze %dma_wait3A_1010 : memref<1x1x4x4096xf32, #tpu.memory_space<vmem>> -> memref<1x4x4096xf32, #tpu.memory_space<vmem>>
    %dma_wait3A_1012 = arith.constant 0 : i32
    %dma_wait3A_1013 = tpu.memref_slice %arg4[%div3A_410, %mul3A_780, %dma_wait3A_1012] : memref<26x64x4096xf32, #tpu.memory_space<hbm>> -> memref<1x4x4096xf32, #tpu.memory_space<hbm>>
    %dma_wait3A_1014 = tpu.memref_slice %arg8[%dma_wait3A_1006] : memref<6x!tpu.dma_semaphore, #tpu.memory_space<semaphore_mem>> -> memref<1x!tpu.dma_semaphore, #tpu.memory_space<semaphore_mem>>
    %dma_wait3A_1015 = tpu.memref_squeeze %dma_wait3A_1014 : memref<1x!tpu.dma_semaphore, #tpu.memory_space<semaphore_mem>> -> memref<!tpu.dma_semaphore, #tpu.memory_space<semaphore_mem>>
    %dma_wait3A_1016 = arith.constant 0 : i32
    %dma_wait3A_1017 = tpu.memref_slice %arg4[%div3A_410, %mul3A_780, %dma_wait3A_1016] : memref<26x64x4096xf32, #tpu.memory_space<hbm>> -> memref<1x4x4096xf32, #tpu.memory_space<hbm>>
    %dma_wait3A_1018 = arith.constant 0 : i32
    %dma_wait3A_1019 = arith.constant 0 : i32
    %dma_wait3A_1020 = arith.constant 0 : i32
    %dma_wait3A_1021 = tpu.memref_slice %arg6[%dma_wait3A_1005, %dma_wait3A_1018, %dma_wait3A_1019, %dma_wait3A_1020] : memref<6x1x4x4096xf32, #tpu.memory_space<vmem>> -> memref<1x1x4x4096xf32, #tpu.memory_space<vmem>>
    %dma_wait3A_1022 = tpu.memref_squeeze %dma_wait3A_1021 : memref<1x1x4x4096xf32, #tpu.memory_space<vmem>> -> memref<1x4x4096xf32, #tpu.memory_space<vmem>>
    tpu.wait_dma2 semaphore(%dma_wait3A_1015 : memref<!tpu.dma_semaphore, #tpu.memory_space<semaphore_mem>>) src(%dma_wait3A_1022 : memref<1x4x4096xf32, #tpu.memory_space<vmem>>) dst(%dma_wait3A_1017 : memref<1x4x4096xf32, #tpu.memory_space<hbm>>)
    %mul3A_1023 = arith.constant 13 : i32
    %mul3A_1024 = arith.muli %add3A, %mul3A_1023 : i32
    %add3A_1025 = arith.constant 12 : i32
    %add3A_1026 = arith.addi %mul3A_1024, %add3A_1025 : i32
    %div3A_1027 = arith.constant 16 : i32
    %div3A_1028 = arith.divsi %add3A_1026, %div3A_1027 : i32
    %mul3A_1029 = arith.constant 16 : i32
    %mul3A_1030 = arith.muli %div3A_1028, %mul3A_1029 : i32
    %sub3A_1031 = arith.subi %add3A_1026, %mul3A_1030 : i32
    %div3A_1032 = arith.constant 16 : i32
    %div3A_1033 = arith.divsi %div3A_1028, %div3A_1032 : i32
    %mul3A_1034 = arith.constant 16 : i32
    %mul3A_1035 = arith.muli %div3A_1033, %mul3A_1034 : i32
    %get3A_1036 = arith.index_cast %mul3A_1035 : i32 to index
    %get3A_1037 = tpu.vector_load %arg5[%get3A_1036] {strides = array<i32>} : memref<32xi32, #tpu.memory_space<vmem>>, vector<16xi32>,
    %mul3A_1038 = arith.constant 16 : i32
    %mul3A_1039 = arith.muli %div3A_1033, %mul3A_1038 : i32
    %sub3A_1040 = arith.subi %div3A_1028, %mul3A_1039 : i32
    %eq3A_1041 = vector.broadcast %sub3A_1040 : i32 to vector<16xi32>
    %eq3A_1042 = arith.cmpi eq, %iota3A, %eq3A_1041 : vector<16xi32>
    %jit3A_1043 = arith.constant 0 : i32
    %broadcast_in_dim3A_1044 = vector.broadcast %jit3A_1043 : i32 to vector<16xi32>
    %select_n3A_1045 = arith.select %eq3A_1042, %get3A_1037, %broadcast_in_dim3A_1044 : vector<16xi1>, vector<16xi32>
    %reduce_sum3A_1046 = arith.constant true
    %reduce_sum3A_1047 = vector.broadcast %reduce_sum3A_1046 : i1 to vector<16xi1>
    %reduce_sum3A_1048 = tpu.scan <sum>, %select_n3A_1045 masked %reduce_sum3A_1047 : vector<16xi32>, vector<16xi1> -> vector<16xi32>
    %reduce_sum3A_1049 = vector.extract %reduce_sum3A_1048[15] : i32 from vector<16xi32>
    %mul3A_1050 = arith.constant 4 : i32
    %mul3A_1051 = arith.muli %sub3A_1031, %mul3A_1050 : i32
    %dma_start3A_1052 = arith.constant 0 : i32
    %dma_start3A_1053 = arith.constant 0 : i32
    %dma_start3A_1054 = arith.constant 0 : i32
    %dma_start3A_1055 = arith.constant 0 : i32
    %dma_start3A_1056 = arith.constant 0 : i32
    %dma_start3A_1057 = tpu.memref_slice %arg6[%dma_start3A_1052, %dma_start3A_1054, %dma_start3A_1055, %dma_start3A_1056] : memref<6x1x4x4096xf32, #tpu.memory_space<vmem>> -> memref<1x1x4x4096xf32, #tpu.memory_space<vmem>>
    %dma_start3A_1058 = tpu.memref_squeeze %dma_start3A_1057 : memref<1x1x4x4096xf32, #tpu.memory_space<vmem>> -> memref<1x4x4096xf32, #tpu.memory_space<vmem>>
    %dma_start3A_1059 = arith.constant 0 : i32
    %dma_start3A_1060 = tpu.memref_slice %arg2[%reduce_sum3A_1049, %mul3A_1051, %dma_start3A_1059] : memref<100x64x4096xf32, #tpu.memory_space<hbm>> -> memref<1x4x4096xf32, #tpu.memory_space<hbm>>
    %dma_start3A_1061 = tpu.memref_slice %arg7[%dma_start3A_1053] : memref<6x!tpu.dma_semaphore, #tpu.memory_space<semaphore_mem>> -> memref<1x!tpu.dma_semaphore, #tpu.memory_space<semaphore_mem>>
    %dma_start3A_1062 = tpu.memref_squeeze %dma_start3A_1061 : memref<1x!tpu.dma_semaphore, #tpu.memory_space<semaphore_mem>> -> memref<!tpu.dma_semaphore, #tpu.memory_space<semaphore_mem>>
    %dma_start3A_1063 = arith.constant 0 : i32
    %dma_start3A_1064 = arith.constant 0 : i32
    %dma_start3A_1065 = arith.constant 0 : i32
    %dma_start3A_1066 = tpu.memref_slice %arg6[%dma_start3A_1052, %dma_start3A_1063, %dma_start3A_1064, %dma_start3A_1065] : memref<6x1x4x4096xf32, #tpu.memory_space<vmem>> -> memref<1x1x4x4096xf32, #tpu.memory_space<vmem>>
    %dma_start3A_1067 = tpu.memref_squeeze %dma_start3A_1066 : memref<1x1x4x4096xf32, #tpu.memory_space<vmem>> -> memref<1x4x4096xf32, #tpu.memory_space<vmem>>
    %dma_start3A_1068 = arith.constant 0 : i32
    %dma_start3A_1069 = tpu.memref_slice %arg2[%reduce_sum3A_1049, %mul3A_1051, %dma_start3A_1068] : memref<100x64x4096xf32, #tpu.memory_space<hbm>> -> memref<1x4x4096xf32, #tpu.memory_space<hbm>>
    tpu.enqueue_dma source(%dma_start3A_1069 : memref<1x4x4096xf32, #tpu.memory_space<hbm>>) target(%dma_start3A_1067 : memref<1x4x4096xf32, #tpu.memory_space<vmem>>) target_semaphore(%dma_start3A_1062 : memref<!tpu.dma_semaphore, #tpu.memory_space<semaphore_mem>>)
    %dma_wait3A_1070 = arith.constant 3 : i32
    %dma_wait3A_1071 = arith.constant 3 : i32
    %dma_wait3A_1072 = arith.constant 0 : i32
    %dma_wait3A_1073 = arith.constant 0 : i32
    %dma_wait3A_1074 = arith.constant 0 : i32
    %dma_wait3A_1075 = tpu.memref_slice %arg6[%dma_wait3A_1070, %dma_wait3A_1072, %dma_wait3A_1073, %dma_wait3A_1074] : memref<6x1x4x4096xf32, #tpu.memory_space<vmem>> -> memref<1x1x4x4096xf32, #tpu.memory_space<vmem>>
    %dma_wait3A_1076 = tpu.memref_squeeze %dma_wait3A_1075 : memref<1x1x4x4096xf32, #tpu.memory_space<vmem>> -> memref<1x4x4096xf32, #tpu.memory_space<vmem>>
    %dma_wait3A_1077 = arith.constant 0 : i32
    %dma_wait3A_1078 = tpu.memref_slice %arg2[%reduce_sum3A_740, %mul3A_742, %dma_wait3A_1077] : memref<100x64x4096xf32, #tpu.memory_space<hbm>> -> memref<1x4x4096xf32, #tpu.memory_space<hbm>>
    %dma_wait3A_1079 = tpu.memref_slice %arg7[%dma_wait3A_1071] : memref<6x!tpu.dma_semaphore, #tpu.memory_space<semaphore_mem>> -> memref<1x!tpu.dma_semaphore, #tpu.memory_space<semaphore_mem>>
    %dma_wait3A_1080 = tpu.memref_squeeze %dma_wait3A_1079 : memref<1x!tpu.dma_semaphore, #tpu.memory_space<semaphore_mem>> -> memref<!tpu.dma_semaphore, #tpu.memory_space<semaphore_mem>>
    %dma_wait3A_1081 = arith.constant 0 : i32
    %dma_wait3A_1082 = arith.constant 0 : i32
    %dma_wait3A_1083 = arith.constant 0 : i32
    %dma_wait3A_1084 = tpu.memref_slice %arg6[%dma_wait3A_1070, %dma_wait3A_1081, %dma_wait3A_1082, %dma_wait3A_1083] : memref<6x1x4x4096xf32, #tpu.memory_space<vmem>> -> memref<1x1x4x4096xf32, #tpu.memory_space<vmem>>
    %dma_wait3A_1085 = tpu.memref_squeeze %dma_wait3A_1084 : memref<1x1x4x4096xf32, #tpu.memory_space<vmem>> -> memref<1x4x4096xf32, #tpu.memory_space<vmem>>
    %dma_wait3A_1086 = arith.constant 0 : i32
    %dma_wait3A_1087 = tpu.memref_slice %arg2[%reduce_sum3A_740, %mul3A_742, %dma_wait3A_1086] : memref<100x64x4096xf32, #tpu.memory_space<hbm>> -> memref<1x4x4096xf32, #tpu.memory_space<hbm>>
    tpu.wait_dma2 semaphore(%dma_wait3A_1080 : memref<!tpu.dma_semaphore, #tpu.memory_space<semaphore_mem>>) src(%dma_wait3A_1087 : memref<1x4x4096xf32, #tpu.memory_space<hbm>>) dst(%dma_wait3A_1085 : memref<1x4x4096xf32, #tpu.memory_space<vmem>>)
    %mul3A_1088 = arith.constant 4 : i32
    %mul3A_1089 = arith.muli %sub3A_722, %mul3A_1088 : i32
    %dma_start3A_1090 = arith.constant 3 : i32
    %dma_start3A_1091 = arith.constant 3 : i32
    %dma_start3A_1092 = arith.constant 0 : i32
    %dma_start3A_1093 = arith.constant 0 : i32
    %dma_start3A_1094 = arith.constant 0 : i32
    %dma_start3A_1095 = tpu.memref_slice %arg6[%dma_start3A_1090, %dma_start3A_1092, %dma_start3A_1093, %dma_start3A_1094] : memref<6x1x4x4096xf32, #tpu.memory_space<vmem>> -> memref<1x1x4x4096xf32, #tpu.memory_space<vmem>>
    %dma_start3A_1096 = tpu.memref_squeeze %dma_start3A_1095 : memref<1x1x4x4096xf32, #tpu.memory_space<vmem>> -> memref<1x4x4096xf32, #tpu.memory_space<vmem>>
    %dma_start3A_1097 = arith.constant 0 : i32
    %dma_start3A_1098 = tpu.memref_slice %arg4[%div3A_719, %mul3A_1089, %dma_start3A_1097] : memref<26x64x4096xf32, #tpu.memory_space<hbm>> -> memref<1x4x4096xf32, #tpu.memory_space<hbm>>
    %dma_start3A_1099 = tpu.memref_slice %arg8[%dma_start3A_1091] : memref<6x!tpu.dma_semaphore, #tpu.memory_space<semaphore_mem>> -> memref<1x!tpu.dma_semaphore, #tpu.memory_space<semaphore_mem>>
    %dma_start3A_1100 = tpu.memref_squeeze %dma_start3A_1099 : memref<1x!tpu.dma_semaphore, #tpu.memory_space<semaphore_mem>> -> memref<!tpu.dma_semaphore, #tpu.memory_space<semaphore_mem>>
    %dma_start3A_1101 = arith.constant 0 : i32
    %dma_start3A_1102 = tpu.memref_slice %arg4[%div3A_719, %mul3A_1089, %dma_start3A_1101] : memref<26x64x4096xf32, #tpu.memory_space<hbm>> -> memref<1x4x4096xf32, #tpu.memory_space<hbm>>
    %dma_start3A_1103 = arith.constant 0 : i32
    %dma_start3A_1104 = arith.constant 0 : i32
    %dma_start3A_1105 = arith.constant 0 : i32
    %dma_start3A_1106 = tpu.memref_slice %arg6[%dma_start3A_1090, %dma_start3A_1103, %dma_start3A_1104, %dma_start3A_1105] : memref<6x1x4x4096xf32, #tpu.memory_space<vmem>> -> memref<1x1x4x4096xf32, #tpu.memory_space<vmem>>
    %dma_start3A_1107 = tpu.memref_squeeze %dma_start3A_1106 : memref<1x1x4x4096xf32, #tpu.memory_space<vmem>> -> memref<1x4x4096xf32, #tpu.memory_space<vmem>>
    tpu.enqueue_dma source(%dma_start3A_1107 : memref<1x4x4096xf32, #tpu.memory_space<vmem>>) target(%dma_start3A_1102 : memref<1x4x4096xf32, #tpu.memory_space<hbm>>) target_semaphore(%dma_start3A_1100 : memref<!tpu.dma_semaphore, #tpu.memory_space<semaphore_mem>>)
    %dma_wait3A_1108 = arith.constant 4 : i32
    %dma_wait3A_1109 = arith.constant 4 : i32
    %dma_wait3A_1110 = arith.constant 0 : i32
    %dma_wait3A_1111 = arith.constant 0 : i32
    %dma_wait3A_1112 = arith.constant 0 : i32
    %dma_wait3A_1113 = tpu.memref_slice %arg6[%dma_wait3A_1108, %dma_wait3A_1110, %dma_wait3A_1111, %dma_wait3A_1112] : memref<6x1x4x4096xf32, #tpu.memory_space<vmem>> -> memref<1x1x4x4096xf32, #tpu.memory_space<vmem>>
    %dma_wait3A_1114 = tpu.memref_squeeze %dma_wait3A_1113 : memref<1x1x4x4096xf32, #tpu.memory_space<vmem>> -> memref<1x4x4096xf32, #tpu.memory_space<vmem>>
    %dma_wait3A_1115 = arith.constant 0 : i32
    %dma_wait3A_1116 = tpu.memref_slice %arg2[%reduce_sum3A_843, %mul3A_845, %dma_wait3A_1115] : memref<100x64x4096xf32, #tpu.memory_space<hbm>> -> memref<1x4x4096xf32, #tpu.memory_space<hbm>>
    %dma_wait3A_1117 = tpu.memref_slice %arg7[%dma_wait3A_1109] : memref<6x!tpu.dma_semaphore, #tpu.memory_space<semaphore_mem>> -> memref<1x!tpu.dma_semaphore, #tpu.memory_space<semaphore_mem>>
    %dma_wait3A_1118 = tpu.memref_squeeze %dma_wait3A_1117 : memref<1x!tpu.dma_semaphore, #tpu.memory_space<semaphore_mem>> -> memref<!tpu.dma_semaphore, #tpu.memory_space<semaphore_mem>>
    %dma_wait3A_1119 = arith.constant 0 : i32
    %dma_wait3A_1120 = arith.constant 0 : i32
    %dma_wait3A_1121 = arith.constant 0 : i32
    %dma_wait3A_1122 = tpu.memref_slice %arg6[%dma_wait3A_1108, %dma_wait3A_1119, %dma_wait3A_1120, %dma_wait3A_1121] : memref<6x1x4x4096xf32, #tpu.memory_space<vmem>> -> memref<1x1x4x4096xf32, #tpu.memory_space<vmem>>
    %dma_wait3A_1123 = tpu.memref_squeeze %dma_wait3A_1122 : memref<1x1x4x4096xf32, #tpu.memory_space<vmem>> -> memref<1x4x4096xf32, #tpu.memory_space<vmem>>
    %dma_wait3A_1124 = arith.constant 0 : i32
    %dma_wait3A_1125 = tpu.memref_slice %arg2[%reduce_sum3A_843, %mul3A_845, %dma_wait3A_1124] : memref<100x64x4096xf32, #tpu.memory_space<hbm>> -> memref<1x4x4096xf32, #tpu.memory_space<hbm>>
    tpu.wait_dma2 semaphore(%dma_wait3A_1118 : memref<!tpu.dma_semaphore, #tpu.memory_space<semaphore_mem>>) src(%dma_wait3A_1125 : memref<1x4x4096xf32, #tpu.memory_space<hbm>>) dst(%dma_wait3A_1123 : memref<1x4x4096xf32, #tpu.memory_space<vmem>>)
    %mul3A_1126 = arith.constant 4 : i32
    %mul3A_1127 = arith.muli %sub3A_825, %mul3A_1126 : i32
    %dma_start3A_1128 = arith.constant 4 : i32
    %dma_start3A_1129 = arith.constant 4 : i32
    %dma_start3A_1130 = arith.constant 0 : i32
    %dma_start3A_1131 = arith.constant 0 : i32
    %dma_start3A_1132 = arith.constant 0 : i32
    %dma_start3A_1133 = tpu.memref_slice %arg6[%dma_start3A_1128, %dma_start3A_1130, %dma_start3A_1131, %dma_start3A_1132] : memref<6x1x4x4096xf32, #tpu.memory_space<vmem>> -> memref<1x1x4x4096xf32, #tpu.memory_space<vmem>>
    %dma_start3A_1134 = tpu.memref_squeeze %dma_start3A_1133 : memref<1x1x4x4096xf32, #tpu.memory_space<vmem>> -> memref<1x4x4096xf32, #tpu.memory_space<vmem>>
    %dma_start3A_1135 = arith.constant 0 : i32
    %dma_start3A_1136 = tpu.memref_slice %arg4[%div3A_822, %mul3A_1127, %dma_start3A_1135] : memref<26x64x4096xf32, #tpu.memory_space<hbm>> -> memref<1x4x4096xf32, #tpu.memory_space<hbm>>
    %dma_start3A_1137 = tpu.memref_slice %arg8[%dma_start3A_1129] : memref<6x!tpu.dma_semaphore, #tpu.memory_space<semaphore_mem>> -> memref<1x!tpu.dma_semaphore, #tpu.memory_space<semaphore_mem>>
    %dma_start3A_1138 = tpu.memref_squeeze %dma_start3A_1137 : memref<1x!tpu.dma_semaphore, #tpu.memory_space<semaphore_mem>> -> memref<!tpu.dma_semaphore, #tpu.memory_space<semaphore_mem>>
    %dma_start3A_1139 = arith.constant 0 : i32
    %dma_start3A_1140 = tpu.memref_slice %arg4[%div3A_822, %mul3A_1127, %dma_start3A_1139] : memref<26x64x4096xf32, #tpu.memory_space<hbm>> -> memref<1x4x4096xf32, #tpu.memory_space<hbm>>
    %dma_start3A_1141 = arith.constant 0 : i32
    %dma_start3A_1142 = arith.constant 0 : i32
    %dma_start3A_1143 = arith.constant 0 : i32
    %dma_start3A_1144 = tpu.memref_slice %arg6[%dma_start3A_1128, %dma_start3A_1141, %dma_start3A_1142, %dma_start3A_1143] : memref<6x1x4x4096xf32, #tpu.memory_space<vmem>> -> memref<1x1x4x4096xf32, #tpu.memory_space<vmem>>
    %dma_start3A_1145 = tpu.memref_squeeze %dma_start3A_1144 : memref<1x1x4x4096xf32, #tpu.memory_space<vmem>> -> memref<1x4x4096xf32, #tpu.memory_space<vmem>>
    tpu.enqueue_dma source(%dma_start3A_1145 : memref<1x4x4096xf32, #tpu.memory_space<vmem>>) target(%dma_start3A_1140 : memref<1x4x4096xf32, #tpu.memory_space<hbm>>) target_semaphore(%dma_start3A_1138 : memref<!tpu.dma_semaphore, #tpu.memory_space<semaphore_mem>>)
    %dma_wait3A_1146 = arith.constant 5 : i32
    %dma_wait3A_1147 = arith.constant 5 : i32
    %dma_wait3A_1148 = arith.constant 0 : i32
    %dma_wait3A_1149 = arith.constant 0 : i32
    %dma_wait3A_1150 = arith.constant 0 : i32
    %dma_wait3A_1151 = tpu.memref_slice %arg6[%dma_wait3A_1146, %dma_wait3A_1148, %dma_wait3A_1149, %dma_wait3A_1150] : memref<6x1x4x4096xf32, #tpu.memory_space<vmem>> -> memref<1x1x4x4096xf32, #tpu.memory_space<vmem>>
    %dma_wait3A_1152 = tpu.memref_squeeze %dma_wait3A_1151 : memref<1x1x4x4096xf32, #tpu.memory_space<vmem>> -> memref<1x4x4096xf32, #tpu.memory_space<vmem>>
    %dma_wait3A_1153 = arith.constant 0 : i32
    %dma_wait3A_1154 = tpu.memref_slice %arg2[%reduce_sum3A_946, %mul3A_948, %dma_wait3A_1153] : memref<100x64x4096xf32, #tpu.memory_space<hbm>> -> memref<1x4x4096xf32, #tpu.memory_space<hbm>>
    %dma_wait3A_1155 = tpu.memref_slice %arg7[%dma_wait3A_1147] : memref<6x!tpu.dma_semaphore, #tpu.memory_space<semaphore_mem>> -> memref<1x!tpu.dma_semaphore, #tpu.memory_space<semaphore_mem>>
    %dma_wait3A_1156 = tpu.memref_squeeze %dma_wait3A_1155 : memref<1x!tpu.dma_semaphore, #tpu.memory_space<semaphore_mem>> -> memref<!tpu.dma_semaphore, #tpu.memory_space<semaphore_mem>>
    %dma_wait3A_1157 = arith.constant 0 : i32
    %dma_wait3A_1158 = arith.constant 0 : i32
    %dma_wait3A_1159 = arith.constant 0 : i32
    %dma_wait3A_1160 = tpu.memref_slice %arg6[%dma_wait3A_1146, %dma_wait3A_1157, %dma_wait3A_1158, %dma_wait3A_1159] : memref<6x1x4x4096xf32, #tpu.memory_space<vmem>> -> memref<1x1x4x4096xf32, #tpu.memory_space<vmem>>
    %dma_wait3A_1161 = tpu.memref_squeeze %dma_wait3A_1160 : memref<1x1x4x4096xf32, #tpu.memory_space<vmem>> -> memref<1x4x4096xf32, #tpu.memory_space<vmem>>
    %dma_wait3A_1162 = arith.constant 0 : i32
    %dma_wait3A_1163 = tpu.memref_slice %arg2[%reduce_sum3A_946, %mul3A_948, %dma_wait3A_1162] : memref<100x64x4096xf32, #tpu.memory_space<hbm>> -> memref<1x4x4096xf32, #tpu.memory_space<hbm>>
    tpu.wait_dma2 semaphore(%dma_wait3A_1156 : memref<!tpu.dma_semaphore, #tpu.memory_space<semaphore_mem>>) src(%dma_wait3A_1163 : memref<1x4x4096xf32, #tpu.memory_space<hbm>>) dst(%dma_wait3A_1161 : memref<1x4x4096xf32, #tpu.memory_space<vmem>>)
    %mul3A_1164 = arith.constant 4 : i32
    %mul3A_1165 = arith.muli %sub3A_928, %mul3A_1164 : i32
    %dma_start3A_1166 = arith.constant 5 : i32
    %dma_start3A_1167 = arith.constant 5 : i32
    %dma_start3A_1168 = arith.constant 0 : i32
    %dma_start3A_1169 = arith.constant 0 : i32
    %dma_start3A_1170 = arith.constant 0 : i32
    %dma_start3A_1171 = tpu.memref_slice %arg6[%dma_start3A_1166, %dma_start3A_1168, %dma_start3A_1169, %dma_start3A_1170] : memref<6x1x4x4096xf32, #tpu.memory_space<vmem>> -> memref<1x1x4x4096xf32, #tpu.memory_space<vmem>>
    %dma_start3A_1172 = tpu.memref_squeeze %dma_start3A_1171 : memref<1x1x4x4096xf32, #tpu.memory_space<vmem>> -> memref<1x4x4096xf32, #tpu.memory_space<vmem>>
    %dma_start3A_1173 = arith.constant 0 : i32
    %dma_start3A_1174 = tpu.memref_slice %arg4[%div3A_925, %mul3A_1165, %dma_start3A_1173] : memref<26x64x4096xf32, #tpu.memory_space<hbm>> -> memref<1x4x4096xf32, #tpu.memory_space<hbm>>
    %dma_start3A_1175 = tpu.memref_slice %arg8[%dma_start3A_1167] : memref<6x!tpu.dma_semaphore, #tpu.memory_space<semaphore_mem>> -> memref<1x!tpu.dma_semaphore, #tpu.memory_space<semaphore_mem>>
    %dma_start3A_1176 = tpu.memref_squeeze %dma_start3A_1175 : memref<1x!tpu.dma_semaphore, #tpu.memory_space<semaphore_mem>> -> memref<!tpu.dma_semaphore, #tpu.memory_space<semaphore_mem>>
    %dma_start3A_1177 = arith.constant 0 : i32
    %dma_start3A_1178 = tpu.memref_slice %arg4[%div3A_925, %mul3A_1165, %dma_start3A_1177] : memref<26x64x4096xf32, #tpu.memory_space<hbm>> -> memref<1x4x4096xf32, #tpu.memory_space<hbm>>
    %dma_start3A_1179 = arith.constant 0 : i32
    %dma_start3A_1180 = arith.constant 0 : i32
    %dma_start3A_1181 = arith.constant 0 : i32
    %dma_start3A_1182 = tpu.memref_slice %arg6[%dma_start3A_1166, %dma_start3A_1179, %dma_start3A_1180, %dma_start3A_1181] : memref<6x1x4x4096xf32, #tpu.memory_space<vmem>> -> memref<1x1x4x4096xf32, #tpu.memory_space<vmem>>
    %dma_start3A_1183 = tpu.memref_squeeze %dma_start3A_1182 : memref<1x1x4x4096xf32, #tpu.memory_space<vmem>> -> memref<1x4x4096xf32, #tpu.memory_space<vmem>>
    tpu.enqueue_dma source(%dma_start3A_1183 : memref<1x4x4096xf32, #tpu.memory_space<vmem>>) target(%dma_start3A_1178 : memref<1x4x4096xf32, #tpu.memory_space<hbm>>) target_semaphore(%dma_start3A_1176 : memref<!tpu.dma_semaphore, #tpu.memory_space<semaphore_mem>>)
    %dma_wait3A_1184 = arith.constant 0 : i32
    %dma_wait3A_1185 = arith.constant 0 : i32
    %dma_wait3A_1186 = arith.constant 0 : i32
    %dma_wait3A_1187 = arith.constant 0 : i32
    %dma_wait3A_1188 = arith.constant 0 : i32
    %dma_wait3A_1189 = tpu.memref_slice %arg6[%dma_wait3A_1184, %dma_wait3A_1186, %dma_wait3A_1187, %dma_wait3A_1188] : memref<6x1x4x4096xf32, #tpu.memory_space<vmem>> -> memref<1x1x4x4096xf32, #tpu.memory_space<vmem>>
    %dma_wait3A_1190 = tpu.memref_squeeze %dma_wait3A_1189 : memref<1x1x4x4096xf32, #tpu.memory_space<vmem>> -> memref<1x4x4096xf32, #tpu.memory_space<vmem>>
    %dma_wait3A_1191 = arith.constant 0 : i32
    %dma_wait3A_1192 = tpu.memref_slice %arg2[%reduce_sum3A_1049, %mul3A_1051, %dma_wait3A_1191] : memref<100x64x4096xf32, #tpu.memory_space<hbm>> -> memref<1x4x4096xf32, #tpu.memory_space<hbm>>
    %dma_wait3A_1193 = tpu.memref_slice %arg7[%dma_wait3A_1185] : memref<6x!tpu.dma_semaphore, #tpu.memory_space<semaphore_mem>> -> memref<1x!tpu.dma_semaphore, #tpu.memory_space<semaphore_mem>>
    %dma_wait3A_1194 = tpu.memref_squeeze %dma_wait3A_1193 : memref<1x!tpu.dma_semaphore, #tpu.memory_space<semaphore_mem>> -> memref<!tpu.dma_semaphore, #tpu.memory_space<semaphore_mem>>
    %dma_wait3A_1195 = arith.constant 0 : i32
    %dma_wait3A_1196 = arith.constant 0 : i32
    %dma_wait3A_1197 = arith.constant 0 : i32
    %dma_wait3A_1198 = tpu.memref_slice %arg6[%dma_wait3A_1184, %dma_wait3A_1195, %dma_wait3A_1196, %dma_wait3A_1197] : memref<6x1x4x4096xf32, #tpu.memory_space<vmem>> -> memref<1x1x4x4096xf32, #tpu.memory_space<vmem>>
    %dma_wait3A_1199 = tpu.memref_squeeze %dma_wait3A_1198 : memref<1x1x4x4096xf32, #tpu.memory_space<vmem>> -> memref<1x4x4096xf32, #tpu.memory_space<vmem>>
    %dma_wait3A_1200 = arith.constant 0 : i32
    %dma_wait3A_1201 = tpu.memref_slice %arg2[%reduce_sum3A_1049, %mul3A_1051, %dma_wait3A_1200] : memref<100x64x4096xf32, #tpu.memory_space<hbm>> -> memref<1x4x4096xf32, #tpu.memory_space<hbm>>
    tpu.wait_dma2 semaphore(%dma_wait3A_1194 : memref<!tpu.dma_semaphore, #tpu.memory_space<semaphore_mem>>) src(%dma_wait3A_1201 : memref<1x4x4096xf32, #tpu.memory_space<hbm>>) dst(%dma_wait3A_1199 : memref<1x4x4096xf32, #tpu.memory_space<vmem>>)
    %mul3A_1202 = arith.constant 4 : i32
    %mul3A_1203 = arith.muli %sub3A_1031, %mul3A_1202 : i32
    %dma_start3A_1204 = arith.constant 0 : i32
    %dma_start3A_1205 = arith.constant 0 : i32
    %dma_start3A_1206 = arith.constant 0 : i32
    %dma_start3A_1207 = arith.constant 0 : i32
    %dma_start3A_1208 = arith.constant 0 : i32
    %dma_start3A_1209 = tpu.memref_slice %arg6[%dma_start3A_1204, %dma_start3A_1206, %dma_start3A_1207, %dma_start3A_1208] : memref<6x1x4x4096xf32, #tpu.memory_space<vmem>> -> memref<1x1x4x4096xf32, #tpu.memory_space<vmem>>
    %dma_start3A_1210 = tpu.memref_squeeze %dma_start3A_1209 : memref<1x1x4x4096xf32, #tpu.memory_space<vmem>> -> memref<1x4x4096xf32, #tpu.memory_space<vmem>>
    %dma_start3A_1211 = arith.constant 0 : i32
    %dma_start3A_1212 = tpu.memref_slice %arg4[%div3A_1028, %mul3A_1203, %dma_start3A_1211] : memref<26x64x4096xf32, #tpu.memory_space<hbm>> -> memref<1x4x4096xf32, #tpu.memory_space<hbm>>
    %dma_start3A_1213 = tpu.memref_slice %arg8[%dma_start3A_1205] : memref<6x!tpu.dma_semaphore, #tpu.memory_space<semaphore_mem>> -> memref<1x!tpu.dma_semaphore, #tpu.memory_space<semaphore_mem>>
    %dma_start3A_1214 = tpu.memref_squeeze %dma_start3A_1213 : memref<1x!tpu.dma_semaphore, #tpu.memory_space<semaphore_mem>> -> memref<!tpu.dma_semaphore, #tpu.memory_space<semaphore_mem>>
    %dma_start3A_1215 = arith.constant 0 : i32
    %dma_start3A_1216 = tpu.memref_slice %arg4[%div3A_1028, %mul3A_1203, %dma_start3A_1215] : memref<26x64x4096xf32, #tpu.memory_space<hbm>> -> memref<1x4x4096xf32, #tpu.memory_space<hbm>>
    %dma_start3A_1217 = arith.constant 0 : i32
    %dma_start3A_1218 = arith.constant 0 : i32
    %dma_start3A_1219 = arith.constant 0 : i32
    %dma_start3A_1220 = tpu.memref_slice %arg6[%dma_start3A_1204, %dma_start3A_1217, %dma_start3A_1218, %dma_start3A_1219] : memref<6x1x4x4096xf32, #tpu.memory_space<vmem>> -> memref<1x1x4x4096xf32, #tpu.memory_space<vmem>>
    %dma_start3A_1221 = tpu.memref_squeeze %dma_start3A_1220 : memref<1x1x4x4096xf32, #tpu.memory_space<vmem>> -> memref<1x4x4096xf32, #tpu.memory_space<vmem>>
    tpu.enqueue_dma source(%dma_start3A_1221 : memref<1x4x4096xf32, #tpu.memory_space<vmem>>) target(%dma_start3A_1216 : memref<1x4x4096xf32, #tpu.memory_space<hbm>>) target_semaphore(%dma_start3A_1214 : memref<!tpu.dma_semaphore, #tpu.memory_space<semaphore_mem>>)
    %dma_wait3A_1222 = arith.constant 1 : i32
    %dma_wait3A_1223 = arith.constant 1 : i32
    %dma_wait3A_1224 = arith.constant 0 : i32
    %dma_wait3A_1225 = arith.constant 0 : i32
    %dma_wait3A_1226 = arith.constant 0 : i32
    %dma_wait3A_1227 = tpu.memref_slice %arg6[%dma_wait3A_1222, %dma_wait3A_1224, %dma_wait3A_1225, %dma_wait3A_1226] : memref<6x1x4x4096xf32, #tpu.memory_space<vmem>> -> memref<1x1x4x4096xf32, #tpu.memory_space<vmem>>
    %dma_wait3A_1228 = tpu.memref_squeeze %dma_wait3A_1227 : memref<1x1x4x4096xf32, #tpu.memory_space<vmem>> -> memref<1x4x4096xf32, #tpu.memory_space<vmem>>
    %dma_wait3A_1229 = arith.constant 0 : i32
    %dma_wait3A_1230 = tpu.memref_slice %arg4[%div3A_513, %mul3A_883, %dma_wait3A_1229] : memref<26x64x4096xf32, #tpu.memory_space<hbm>> -> memref<1x4x4096xf32, #tpu.memory_space<hbm>>
    %dma_wait3A_1231 = tpu.memref_slice %arg8[%dma_wait3A_1223] : memref<6x!tpu.dma_semaphore, #tpu.memory_space<semaphore_mem>> -> memref<1x!tpu.dma_semaphore, #tpu.memory_space<semaphore_mem>>
    %dma_wait3A_1232 = tpu.memref_squeeze %dma_wait3A_1231 : memref<1x!tpu.dma_semaphore, #tpu.memory_space<semaphore_mem>> -> memref<!tpu.dma_semaphore, #tpu.memory_space<semaphore_mem>>
    %dma_wait3A_1233 = arith.constant 0 : i32
    %dma_wait3A_1234 = tpu.memref_slice %arg4[%div3A_513, %mul3A_883, %dma_wait3A_1233] : memref<26x64x4096xf32, #tpu.memory_space<hbm>> -> memref<1x4x4096xf32, #tpu.memory_space<hbm>>
    %dma_wait3A_1235 = arith.constant 0 : i32
    %dma_wait3A_1236 = arith.constant 0 : i32
    %dma_wait3A_1237 = arith.constant 0 : i32
    %dma_wait3A_1238 = tpu.memref_slice %arg6[%dma_wait3A_1222, %dma_wait3A_1235, %dma_wait3A_1236, %dma_wait3A_1237] : memref<6x1x4x4096xf32, #tpu.memory_space<vmem>> -> memref<1x1x4x4096xf32, #tpu.memory_space<vmem>>
    %dma_wait3A_1239 = tpu.memref_squeeze %dma_wait3A_1238 : memref<1x1x4x4096xf32, #tpu.memory_space<vmem>> -> memref<1x4x4096xf32, #tpu.memory_space<vmem>>
    tpu.wait_dma2 semaphore(%dma_wait3A_1232 : memref<!tpu.dma_semaphore, #tpu.memory_space<semaphore_mem>>) src(%dma_wait3A_1239 : memref<1x4x4096xf32, #tpu.memory_space<vmem>>) dst(%dma_wait3A_1234 : memref<1x4x4096xf32, #tpu.memory_space<hbm>>)
    %dma_wait3A_1240 = arith.constant 2 : i32
    %dma_wait3A_1241 = arith.constant 2 : i32
    %dma_wait3A_1242 = arith.constant 0 : i32
    %dma_wait3A_1243 = arith.constant 0 : i32
    %dma_wait3A_1244 = arith.constant 0 : i32
    %dma_wait3A_1245 = tpu.memref_slice %arg6[%dma_wait3A_1240, %dma_wait3A_1242, %dma_wait3A_1243, %dma_wait3A_1244] : memref<6x1x4x4096xf32, #tpu.memory_space<vmem>> -> memref<1x1x4x4096xf32, #tpu.memory_space<vmem>>
    %dma_wait3A_1246 = tpu.memref_squeeze %dma_wait3A_1245 : memref<1x1x4x4096xf32, #tpu.memory_space<vmem>> -> memref<1x4x4096xf32, #tpu.memory_space<vmem>>
    %dma_wait3A_1247 = arith.constant 0 : i32
    %dma_wait3A_1248 = tpu.memref_slice %arg4[%div3A_616, %mul3A_986, %dma_wait3A_1247] : memref<26x64x4096xf32, #tpu.memory_space<hbm>> -> memref<1x4x4096xf32, #tpu.memory_space<hbm>>
    %dma_wait3A_1249 = tpu.memref_slice %arg8[%dma_wait3A_1241] : memref<6x!tpu.dma_semaphore, #tpu.memory_space<semaphore_mem>> -> memref<1x!tpu.dma_semaphore, #tpu.memory_space<semaphore_mem>>
    %dma_wait3A_1250 = tpu.memref_squeeze %dma_wait3A_1249 : memref<1x!tpu.dma_semaphore, #tpu.memory_space<semaphore_mem>> -> memref<!tpu.dma_semaphore, #tpu.memory_space<semaphore_mem>>
    %dma_wait3A_1251 = arith.constant 0 : i32
    %dma_wait3A_1252 = tpu.memref_slice %arg4[%div3A_616, %mul3A_986, %dma_wait3A_1251] : memref<26x64x4096xf32, #tpu.memory_space<hbm>> -> memref<1x4x4096xf32, #tpu.memory_space<hbm>>
    %dma_wait3A_1253 = arith.constant 0 : i32
    %dma_wait3A_1254 = arith.constant 0 : i32
    %dma_wait3A_1255 = arith.constant 0 : i32
    %dma_wait3A_1256 = tpu.memref_slice %arg6[%dma_wait3A_1240, %dma_wait3A_1253, %dma_wait3A_1254, %dma_wait3A_1255] : memref<6x1x4x4096xf32, #tpu.memory_space<vmem>> -> memref<1x1x4x4096xf32, #tpu.memory_space<vmem>>
    %dma_wait3A_1257 = tpu.memref_squeeze %dma_wait3A_1256 : memref<1x1x4x4096xf32, #tpu.memory_space<vmem>> -> memref<1x4x4096xf32, #tpu.memory_space<vmem>>
    tpu.wait_dma2 semaphore(%dma_wait3A_1250 : memref<!tpu.dma_semaphore, #tpu.memory_space<semaphore_mem>>) src(%dma_wait3A_1257 : memref<1x4x4096xf32, #tpu.memory_space<vmem>>) dst(%dma_wait3A_1252 : memref<1x4x4096xf32, #tpu.memory_space<hbm>>)
    %dma_wait3A_1258 = arith.constant 3 : i32
    %dma_wait3A_1259 = arith.constant 3 : i32
    %dma_wait3A_1260 = arith.constant 0 : i32
    %dma_wait3A_1261 = arith.constant 0 : i32
    %dma_wait3A_1262 = arith.constant 0 : i32
    %dma_wait3A_1263 = tpu.memref_slice %arg6[%dma_wait3A_1258, %dma_wait3A_1260, %dma_wait3A_1261, %dma_wait3A_1262] : memref<6x1x4x4096xf32, #tpu.memory_space<vmem>> -> memref<1x1x4x4096xf32, #tpu.memory_space<vmem>>
    %dma_wait3A_1264 = tpu.memref_squeeze %dma_wait3A_1263 : memref<1x1x4x4096xf32, #tpu.memory_space<vmem>> -> memref<1x4x4096xf32, #tpu.memory_space<vmem>>
    %dma_wait3A_1265 = arith.constant 0 : i32
    %dma_wait3A_1266 = tpu.memref_slice %arg4[%div3A_719, %mul3A_1089, %dma_wait3A_1265] : memref<26x64x4096xf32, #tpu.memory_space<hbm>> -> memref<1x4x4096xf32, #tpu.memory_space<hbm>>
    %dma_wait3A_1267 = tpu.memref_slice %arg8[%dma_wait3A_1259] : memref<6x!tpu.dma_semaphore, #tpu.memory_space<semaphore_mem>> -> memref<1x!tpu.dma_semaphore, #tpu.memory_space<semaphore_mem>>
    %dma_wait3A_1268 = tpu.memref_squeeze %dma_wait3A_1267 : memref<1x!tpu.dma_semaphore, #tpu.memory_space<semaphore_mem>> -> memref<!tpu.dma_semaphore, #tpu.memory_space<semaphore_mem>>
    %dma_wait3A_1269 = arith.constant 0 : i32
    %dma_wait3A_1270 = tpu.memref_slice %arg4[%div3A_719, %mul3A_1089, %dma_wait3A_1269] : memref<26x64x4096xf32, #tpu.memory_space<hbm>> -> memref<1x4x4096xf32, #tpu.memory_space<hbm>>
    %dma_wait3A_1271 = arith.constant 0 : i32
    %dma_wait3A_1272 = arith.constant 0 : i32
    %dma_wait3A_1273 = arith.constant 0 : i32
    %dma_wait3A_1274 = tpu.memref_slice %arg6[%dma_wait3A_1258, %dma_wait3A_1271, %dma_wait3A_1272, %dma_wait3A_1273] : memref<6x1x4x4096xf32, #tpu.memory_space<vmem>> -> memref<1x1x4x4096xf32, #tpu.memory_space<vmem>>
    %dma_wait3A_1275 = tpu.memref_squeeze %dma_wait3A_1274 : memref<1x1x4x4096xf32, #tpu.memory_space<vmem>> -> memref<1x4x4096xf32, #tpu.memory_space<vmem>>
    tpu.wait_dma2 semaphore(%dma_wait3A_1268 : memref<!tpu.dma_semaphore, #tpu.memory_space<semaphore_mem>>) src(%dma_wait3A_1275 : memref<1x4x4096xf32, #tpu.memory_space<vmem>>) dst(%dma_wait3A_1270 : memref<1x4x4096xf32, #tpu.memory_space<hbm>>)
    %dma_wait3A_1276 = arith.constant 4 : i32
    %dma_wait3A_1277 = arith.constant 4 : i32
    %dma_wait3A_1278 = arith.constant 0 : i32
    %dma_wait3A_1279 = arith.constant 0 : i32
    %dma_wait3A_1280 = arith.constant 0 : i32
    %dma_wait3A_1281 = tpu.memref_slice %arg6[%dma_wait3A_1276, %dma_wait3A_1278, %dma_wait3A_1279, %dma_wait3A_1280] : memref<6x1x4x4096xf32, #tpu.memory_space<vmem>> -> memref<1x1x4x4096xf32, #tpu.memory_space<vmem>>
    %dma_wait3A_1282 = tpu.memref_squeeze %dma_wait3A_1281 : memref<1x1x4x4096xf32, #tpu.memory_space<vmem>> -> memref<1x4x4096xf32, #tpu.memory_space<vmem>>
    %dma_wait3A_1283 = arith.constant 0 : i32
    %dma_wait3A_1284 = tpu.memref_slice %arg4[%div3A_822, %mul3A_1127, %dma_wait3A_1283] : memref<26x64x4096xf32, #tpu.memory_space<hbm>> -> memref<1x4x4096xf32, #tpu.memory_space<hbm>>
    %dma_wait3A_1285 = tpu.memref_slice %arg8[%dma_wait3A_1277] : memref<6x!tpu.dma_semaphore, #tpu.memory_space<semaphore_mem>> -> memref<1x!tpu.dma_semaphore, #tpu.memory_space<semaphore_mem>>
    %dma_wait3A_1286 = tpu.memref_squeeze %dma_wait3A_1285 : memref<1x!tpu.dma_semaphore, #tpu.memory_space<semaphore_mem>> -> memref<!tpu.dma_semaphore, #tpu.memory_space<semaphore_mem>>
    %dma_wait3A_1287 = arith.constant 0 : i32
    %dma_wait3A_1288 = tpu.memref_slice %arg4[%div3A_822, %mul3A_1127, %dma_wait3A_1287] : memref<26x64x4096xf32, #tpu.memory_space<hbm>> -> memref<1x4x4096xf32, #tpu.memory_space<hbm>>
    %dma_wait3A_1289 = arith.constant 0 : i32
    %dma_wait3A_1290 = arith.constant 0 : i32
    %dma_wait3A_1291 = arith.constant 0 : i32
    %dma_wait3A_1292 = tpu.memref_slice %arg6[%dma_wait3A_1276, %dma_wait3A_1289, %dma_wait3A_1290, %dma_wait3A_1291] : memref<6x1x4x4096xf32, #tpu.memory_space<vmem>> -> memref<1x1x4x4096xf32, #tpu.memory_space<vmem>>
    %dma_wait3A_1293 = tpu.memref_squeeze %dma_wait3A_1292 : memref<1x1x4x4096xf32, #tpu.memory_space<vmem>> -> memref<1x4x4096xf32, #tpu.memory_space<vmem>>
    tpu.wait_dma2 semaphore(%dma_wait3A_1286 : memref<!tpu.dma_semaphore, #tpu.memory_space<semaphore_mem>>) src(%dma_wait3A_1293 : memref<1x4x4096xf32, #tpu.memory_space<vmem>>) dst(%dma_wait3A_1288 : memref<1x4x4096xf32, #tpu.memory_space<hbm>>)
    %dma_wait3A_1294 = arith.constant 5 : i32
    %dma_wait3A_1295 = arith.constant 5 : i32
    %dma_wait3A_1296 = arith.constant 0 : i32
    %dma_wait3A_1297 = arith.constant 0 : i32
    %dma_wait3A_1298 = arith.constant 0 : i32
    %dma_wait3A_1299 = tpu.memref_slice %arg6[%dma_wait3A_1294, %dma_wait3A_1296, %dma_wait3A_1297, %dma_wait3A_1298] : memref<6x1x4x4096xf32, #tpu.memory_space<vmem>> -> memref<1x1x4x4096xf32, #tpu.memory_space<vmem>>
    %dma_wait3A_1300 = tpu.memref_squeeze %dma_wait3A_1299 : memref<1x1x4x4096xf32, #tpu.memory_space<vmem>> -> memref<1x4x4096xf32, #tpu.memory_space<vmem>>
    %dma_wait3A_1301 = arith.constant 0 : i32
    %dma_wait3A_1302 = tpu.memref_slice %arg4[%div3A_925, %mul3A_1165, %dma_wait3A_1301] : memref<26x64x4096xf32, #tpu.memory_space<hbm>> -> memref<1x4x4096xf32, #tpu.memory_space<hbm>>
    %dma_wait3A_1303 = tpu.memref_slice %arg8[%dma_wait3A_1295] : memref<6x!tpu.dma_semaphore, #tpu.memory_space<semaphore_mem>> -> memref<1x!tpu.dma_semaphore, #tpu.memory_space<semaphore_mem>>
    %dma_wait3A_1304 = tpu.memref_squeeze %dma_wait3A_1303 : memref<1x!tpu.dma_semaphore, #tpu.memory_space<semaphore_mem>> -> memref<!tpu.dma_semaphore, #tpu.memory_space<semaphore_mem>>
    %dma_wait3A_1305 = arith.constant 0 : i32
    %dma_wait3A_1306 = tpu.memref_slice %arg4[%div3A_925, %mul3A_1165, %dma_wait3A_1305] : memref<26x64x4096xf32, #tpu.memory_space<hbm>> -> memref<1x4x4096xf32, #tpu.memory_space<hbm>>
    %dma_wait3A_1307 = arith.constant 0 : i32
    %dma_wait3A_1308 = arith.constant 0 : i32
    %dma_wait3A_1309 = arith.constant 0 : i32
    %dma_wait3A_1310 = tpu.memref_slice %arg6[%dma_wait3A_1294, %dma_wait3A_1307, %dma_wait3A_1308, %dma_wait3A_1309] : memref<6x1x4x4096xf32, #tpu.memory_space<vmem>> -> memref<1x1x4x4096xf32, #tpu.memory_space<vmem>>
    %dma_wait3A_1311 = tpu.memref_squeeze %dma_wait3A_1310 : memref<1x1x4x4096xf32, #tpu.memory_space<vmem>> -> memref<1x4x4096xf32, #tpu.memory_space<vmem>>
    tpu.wait_dma2 semaphore(%dma_wait3A_1304 : memref<!tpu.dma_semaphore, #tpu.memory_space<semaphore_mem>>) src(%dma_wait3A_1311 : memref<1x4x4096xf32, #tpu.memory_space<vmem>>) dst(%dma_wait3A_1306 : memref<1x4x4096xf32, #tpu.memory_space<hbm>>)
    %dma_wait3A_1312 = arith.constant 0 : i32
    %dma_wait3A_1313 = arith.constant 0 : i32
    %dma_wait3A_1314 = arith.constant 0 : i32
    %dma_wait3A_1315 = arith.constant 0 : i32
    %dma_wait3A_1316 = arith.constant 0 : i32
    %dma_wait3A_1317 = tpu.memref_slice %arg6[%dma_wait3A_1312, %dma_wait3A_1314, %dma_wait3A_1315, %dma_wait3A_1316] : memref<6x1x4x4096xf32, #tpu.memory_space<vmem>> -> memref<1x1x4x4096xf32, #tpu.memory_space<vmem>>
    %dma_wait3A_1318 = tpu.memref_squeeze %dma_wait3A_1317 : memref<1x1x4x4096xf32, #tpu.memory_space<vmem>> -> memref<1x4x4096xf32, #tpu.memory_space<vmem>>
    %dma_wait3A_1319 = arith.constant 0 : i32
    %dma_wait3A_1320 = tpu.memref_slice %arg4[%div3A_1028, %mul3A_1203, %dma_wait3A_1319] : memref<26x64x4096xf32, #tpu.memory_space<hbm>> -> memref<1x4x4096xf32, #tpu.memory_space<hbm>>
    %dma_wait3A_1321 = tpu.memref_slice %arg8[%dma_wait3A_1313] : memref<6x!tpu.dma_semaphore, #tpu.memory_space<semaphore_mem>> -> memref<1x!tpu.dma_semaphore, #tpu.memory_space<semaphore_mem>>
    %dma_wait3A_1322 = tpu.memref_squeeze %dma_wait3A_1321 : memref<1x!tpu.dma_semaphore, #tpu.memory_space<semaphore_mem>> -> memref<!tpu.dma_semaphore, #tpu.memory_space<semaphore_mem>>
    %dma_wait3A_1323 = arith.constant 0 : i32
    %dma_wait3A_1324 = tpu.memref_slice %arg4[%div3A_1028, %mul3A_1203, %dma_wait3A_1323] : memref<26x64x4096xf32, #tpu.memory_space<hbm>> -> memref<1x4x4096xf32, #tpu.memory_space<hbm>>
    %dma_wait3A_1325 = arith.constant 0 : i32
    %dma_wait3A_1326 = arith.constant 0 : i32
    %dma_wait3A_1327 = arith.constant 0 : i32
    %dma_wait3A_1328 = tpu.memref_slice %arg6[%dma_wait3A_1312, %dma_wait3A_1325, %dma_wait3A_1326, %dma_wait3A_1327] : memref<6x1x4x4096xf32, #tpu.memory_space<vmem>> -> memref<1x1x4x4096xf32, #tpu.memory_space<vmem>>
    %dma_wait3A_1329 = tpu.memref_squeeze %dma_wait3A_1328 : memref<1x1x4x4096xf32, #tpu.memory_space<vmem>> -> memref<1x4x4096xf32, #tpu.memory_space<vmem>>
    tpu.wait_dma2 semaphore(%dma_wait3A_1322 : memref<!tpu.dma_semaphore, #tpu.memory_space<semaphore_mem>>) src(%dma_wait3A_1329 : memref<1x4x4096xf32, #tpu.memory_space<vmem>>) dst(%dma_wait3A_1324 : memref<1x4x4096xf32, #tpu.memory_space<hbm>>)
    return
  }
}

</mosaic_0001>

<sc_bundles>
// kernel: kernel.3.cloned.1.call-start
scs
__scs_entry_jumppad:
0x0: {  	(pc) =	sbr.rel $0x88, $3  }
0x1: {  	(tag) =	ssettag $0x0;
	lr =	simm.s32 $0x1  }
0x2: {  	[smem:$0x3F9F] =	sst lr;
	_ =	strace $0xD0000000  }
0x3: {  	_ = 	snop  }
0x4: {  	_ = 	snop  }
0x5: {  	_ = 	snop  }
0x6: {  	_ = 	snop  }
0x7: {  	_ = 	snop  }
__scs_overlays_trampoline_lowered:
0x8: {  	[smem:$0x3FAE] =	sst s0  }
0x9: {  	[smem:$0x3FAF] =	sst s1  }
0xa: {  	[smem:$0x3FB0] =	sst s2  }
0xb: {  	[smem:$0x3FB1] =	sst s3  }
0xc: {  	[smem:$0x3FB2] =	sst s4  }
0xd: {  	[smem:$0x3FB3] =	sst s5  }
0xe: {  	[smem:$0x3FB4] =	sst s6  }
0xf: {  	[smem:$0x3FB5] =	sst s7  }
0x10: {  	[smem:$0x3FB6] =	sst s8  }
0x11: {  	[smem:$0x3FB7] =	sst s9;
	s0 =	simm.s32 @!p0 $0x0  }
0x12: {  	s1 =	sld [smem:$0x3F9D];
	s0 =	simm.s32 @p0 $0x1  }
0x13: {  	[smem:$0x3FB8] =	sst s0;
	s0 =	simm.s32 @!p1 $0x0  }
0x14: {  	s2 =	sld [smem:$0x3F9C];
	s0 =	simm.s32 @p1 $0x1  }
0x15: {  	[smem:$0x3FB9] =	sst s0;
	s0 =	simm.s32 @!p2 $0x0  }
0x16: {  	s3 =	sld [smem:$0x3FDB];
	s0 =	simm.s32 @p2 $0x1  }
0x17: {  	s4 =	simm.s32 $0x1BF5;
	[smem:$0x3FBB] =	sst s0  }
0x18: {  	s0 =	sld [smem:$0x3F9E];
	_ =	swait.ge [sflag:s4], $0x0  }
0x19: {  	s7 =	sld [smem:$0x3F9F]  }
0x1a: {  	s8 =	sadd.s32 $0xFFFFE003, lr  }
0x1b: {  	s9 =	sadd.s32 $0xFFFFFEF7, lr;
	s5 =	simm.s32 $0xFFFFFFFF;
	p2 =	slt.u32 s8, $0xFFFFF086  }
0x1c: {  	p1 =	slt.u32 s9, $0xF7A;
	s5 =	simm.s32 @!p2 $0x0  }
0x1d: {  	s5 =	simm.s32 @p1 $0x1;
	p0 =	seq.s32 s7, s2  }
0x1e: {  	s7 =	smul.u32 @!p0 $0xF7A, s2;
	p2 =	seq.s32 @!p0 s5, $0x0  }
0x1f: {  	s9 =	smul.u32 $0xF7A, s1;
	s8 =	simm.s32 @!p0 $0x1BF5;
	p2 =	por !p2, p0  }
0x20: {  	[sflag:s8] =	ssyncset.s32 @!p0 $0xFFFFF086;
	s6 =	sadd.s32 @!p0 s3, s7;
	s7 =	simm.s32 @!p0 $0x108  }
0x21: {  	s3 =	sadd.s32 s3, s9;
	s6 =	sadd.s32 @!p0 $0x88, s6;
	s7 =	simm.s32 @p2 $0x1082  }
0x22: {  	[simem:s7], [sflag:s8] =	dma.local @!p0 [hbm:s6], $0xF7A  }
0x23: {  	s9 =	sor.u32 $0xD0000000, s2;
	s6 =	simm.s32 $0x108;
	_ =	swait.ge @!p0 [sflag:s8], $0x0  }
0x24: {  	s3 =	sadd.s32 $0x88, s3;
	s6 =	simm.s32 @!p1 $0x1082;
	[sflag:s4] =	ssyncset.s32 $0xFFFFF086  }
0x25: {  	[simem:s6], [sflag:s4] =	dma.local [hbm:s3], $0xF7A  }
0x26: {  	[smem:$0x3F9F] =	sst s1;
	(tag) =	ssettag s2;
	_ =	strace s9  }
0x27: {  	s1 =	sld [smem:$0x3FAF]  }
0x28: {  	s2 =	sld [smem:$0x3FB0]  }
0x29: {  	s4 =	sld [smem:$0x3FB2]  }
0x2a: {  	p0 =	seq.s32 s5, $0x0;
	s5 =	sld [smem:$0x3FB3]  }
0x2b: {  	s6 =	sld [smem:$0x3FB4]  }
0x2c: {  	s7 =	sld [smem:$0x3FB5]  }
0x2d: {  	s3 =	simm.s32 $0x108;
	s8 =	sld [smem:$0x3FB6]  }
0x2e: {  	s3 =	simm.s32 @!p0 $0x1082;
	s9 =	sld [smem:$0x3FB7]  }
0x2f: {  	lr =	sadd.s32 s0, s3;
	s0 =	sld [smem:$0x3FAE]  }
0x30: {  	s3 =	sld [smem:$0x3FB1]  }
0x31: {  	[smem:$0x3FBA] =	sst s10  }
0x32: {  	s10 =	sld [smem:$0x3FB8];
	_ =	sdelay $0x3  }
0x33: {  	p0 =	seq.s32 s10, $0x1;
	s10 =	sld [smem:$0x3FBA];
	_ =	sdelay $0x3  }
0x34: {  	[smem:$0x3FBA] =	sst s10  }
0x35: {  	s10 =	sld [smem:$0x3FB9];
	_ =	sdelay $0x3  }
0x36: {  	p1 =	seq.s32 s10, $0x1;
	s10 =	sld [smem:$0x3FBA];
	_ =	sdelay $0x3  }
0x37: {  	[smem:$0x3FBA] =	sst s10  }
0x38: {  	s10 =	sld [smem:$0x3FBB]  }
0x39: {  	_ = 	snop;
	(pc) =	sbr.ind lr, $3  }
0x3a: {  	_ = 	snop  }
0x3b: {  	_ = 	snop  }
0x3c: {  	p2 =	seq.s32 s10, $0x1;
	s10 =	sld [smem:$0x3FBA]  }
0x3d: {  	_ =	shalt  }
0x3e: {  	_ =	shalt  }
0x3f: {  	_ =	shalt  }
0x40: {  	_ =	shalt  }
0x41: {  	_ =	shalt  }
0x42: {  	_ =	shalt  }
0x43: {  	_ =	shalt  }
0x44: {  	_ =	shalt  }
0x45: {  	_ =	shalt  }
0x46: {  	_ =	shalt  }
0x47: {  	_ =	shalt  }
0x48: {  	_ =	shalt  }
0x49: {  	_ =	shalt  }
0x4a: {  	_ =	shalt  }
0x4b: {  	_ =	shalt  }
0x4c: {  	_ =	shalt  }
0x4d: {  	_ =	shalt  }
0x4e: {  	_ =	shalt  }
0x4f: {  	_ =	shalt  }
0x50: {  	_ =	shalt  }
0x51: {  	_ =	shalt  }
0x52: {  	_ =	shalt  }
0x53: {  	_ =	shalt  }
0x54: {  	_ =	shalt  }
0x55: {  	_ =	shalt  }
0x56: {  	_ =	shalt  }
0x57: {  	_ =	shalt  }
0x58: {  	_ =	shalt  }
0x59: {  	_ =	shalt  }
0x5a: {  	_ =	shalt  }
0x5b: {  	_ =	shalt  }
0x5c: {  	_ =	shalt  }
0x5d: {  	_ =	shalt  }
0x5e: {  	_ =	shalt  }
0x5f: {  	_ =	shalt  }
0x60: {  	_ =	shalt  }
0x61: {  	_ =	shalt  }
0x62: {  	_ =	shalt  }
0x63: {  	_ =	shalt  }
0x64: {  	_ =	shalt  }
0x65: {  	_ =	shalt  }
0x66: {  	_ =	shalt  }
0x67: {  	_ =	shalt  }
0x68: {  	_ =	shalt  }
0x69: {  	_ =	shalt  }
0x6a: {  	_ =	shalt  }
0x6b: {  	_ =	shalt  }
0x6c: {  	_ =	shalt  }
0x6d: {  	_ =	shalt  }
0x6e: {  	_ =	shalt  }
0x6f: {  	_ =	shalt  }
0x70: {  	_ =	shalt  }
0x71: {  	_ =	shalt  }
0x72: {  	_ =	shalt  }
0x73: {  	_ =	shalt  }
0x74: {  	_ =	shalt  }
0x75: {  	_ =	shalt  }
0x76: {  	_ =	shalt  }
0x77: {  	_ =	shalt  }
0x78: {  	_ =	shalt  }
0x79: {  	_ =	shalt  }
0x7a: {  	_ =	shalt  }
0x7b: {  	_ =	shalt  }
0x7c: {  	_ =	shalt  }
0x7d: {  	_ =	shalt  }
0x7e: {  	_ =	shalt  }
0x7f: {  	_ =	shalt  }
0x80: {  	_ =	shalt  }
0x81: {  	_ =	shalt  }
0x82: {  	_ =	shalt  }
0x83: {  	_ =	shalt  }
0x84: {  	_ =	shalt  }
0x85: {  	_ =	shalt  }
0x86: {  	_ =	shalt  }
0x87: {  	_ =	shalt  }
.Lfunc_end0:
.L_simem_size_0:
called_computation_lowered:
.L_overlay_start_0:
0x88: {  	s2 =	sld [smem:$0x3FD9]  }
0x89: {  	s3 =	sld [smem:$0x3FFE];
	_ =	sdelay $0x1  }
0x8a: {  	s1 =	srdreg.scid  }
0x8b: {  	s0 =	sand.u32 $0x1, s1  }
0x8c: {  	s18 =	sshll.u32 s0, $0xA;
	s2 =	sadd.s32 s3, s2  }
0x8d: {  	s2 =	sadd.s32 s2, s18  }
0x8e: {  	[smem:$0x3FC6] =	sst s2  }
0x8f: {  	_ = 	snop  }
0x90: {  	s2 =	sld [smem:$0x3FC9]  }
0x91: {  	s19 =	sld [smem:$0x3FC8]  }
0x92: {  	s4 =	sld [smem:$0x3FD0];
	(tm) =	ssettm $0x1  }
0x93: {  	s5 =	sld [smem:$0x3FFB];
	_ =	sdelay $0x3  }
0x94: {  	_ =	strace s5  }
0x95: {  	s5 =	sld [smem:$0x3FFC];
	_ =	sdelay $0x3  }
0x96: {  	_ =	strace s5  }
0x97: {  	s5 =	sld [smem:$0x3FFD];
	_ =	sdelay $0x3  }
0x98: {  	_ =	strace s5  }
0x99: {  	_ =	strace $0x8FFFFFFF  }
0x9a: {  	s20 =	sld [smem:$0x3FDB];
	_ =	sdelay $0x1  }
0x9b: {  	s6 =	simm.s32 $_scs_section_size  }
0x9c: {  	s7 =	simm.s32 $_size__tile_overlayer_lowered;
	s8 =	simm.s32 $_tile_overlayer_lowered  }
0x9d: {  	s23 =	simm.s32 $0x1BFF;
	s22 =	sshll.u32 s8, $0x1;
	s5 =	sadd.s32 s6, s20  }
0x9e: {  	s9 =	simm.s32 $0x0;
	s21 =	sshll.u32 s7, $0x1;
	s7 =	sadd.s32 s22, s5  }
0x9f: {  	[timem:s9], [sflag:s23] =	dma.local [hbm:s7], s21  }
0xa0: {  	_ =	swait.ge [sflag:s23], s21  }
0xa1: {  	s6 =	ssub.s32 $0x0, s21;
	[sflag:s23] =	ssyncset.done $0x0  }
0xa2: {  	[sflag:s23] =	ssyncadd.s32 s6;
	_ =	sdelay $0x1  }
0xa3: {  	s24 =	simm.s32 $0x1B8B  }
0xa4: {  	_ =	swait.ge [sflag:s24], $0x1  }
0xa5: {  	[sflag:s24] =	ssyncset.done $0x0  }
0xa6: {  	s25 =	simm.s32 $0x1B8E;
	[sflag:s24] =	ssyncadd.s32 $0xFFFFFFFF  }
0xa7: {  	s26 =	simm.s32 $execute0_lowered;
	[smem:$0x3FD2] =	sst s25  }
0xa8: {  	s6 =	sshll.u32 s26, $0x1;
	_ =	strace $0x80000046;
	[dreg:$0x1] =	wrdreg $0xFFFFFFFF  }
0xa9: {  	s28 =	simm.s32 $_size_execute0_lowered;
	s5 =	sadd.s32 s5, s6;
	[dreg:$0x0] =	wrdreg $0x0  }
0xaa: {  	s6 =	sshll.u32 s28, $0x1;
	[dreg:$0x2] =	wrdreg s5  }
0xab: {  	[dreg:$0x3] =	wrdreg s6  }
0xac: {  	[dreg:$0x4] =	wrdreg $0xC0  }
0xad: {  	_ =	task [dreg:s9], $0x5FFFF  }
0xae: {  	[dreg:$0x1] =	wrdreg $0xFFFFFFFF  }
0xaf: {  	[dreg:$0x0] =	wrdreg $0x60  }
0xb0: {  	[dreg:$0x2] =	wrdreg s2  }
0xb1: {  	[dreg:$0x3] =	wrdreg s19  }
0xb2: {  	[dreg:$0x4] =	wrdreg s4  }
0xb3: {  	[dreg:$0x5] =	wrdreg $0x9  }
0xb4: {  	_ =	task.clear_ibuf [dreg:s9], $0x6FFFF;
	_ =	strace $0x90000046  }
0xb5: {  	s29 =	simm.s32 $0x9;
	_ =	strace $0x80000048  }
0xb6: {  	_ =	swait.ge [sflag:s29], $0x1  }
0xb7: {  	[sflag:s29] =	ssyncadd.s32 $0xFFFFFFFF  }
0xb8: {  	_ =	strace $0x90000048  }
0xb9: {  	_ =	sfence  }
0xba: {  	s30 =	sld [smem:$0x0];
	_ =	sdelay $0x2  }
0xbb: {  	s31 =	sshll.u32 s1, $0xD;
	s1 =	sshrl.u32 s1, $0x2  }
0xbc: {  	s3 =	sand.u32 $0x4000, s31;
	s1 =	sadd.s32 s1, s30  }
0xbd: {  	s0 =	sor.u32 s3, s0;
	s1 =	sshll.u32 s1, $0x11  }
0xbe: {  	s0 =	sor.u32 s1, s0  }
0xbf: {  	s0 =	sadd.s32 $0x8F2B, s0  }
0xc0: {  	[sflag:s0] =	ssyncadd.remote.s32 $0x1  }
0xc1: {  	_ =	sfence.sel $0xFFFF  }
0xc2: {  	[dreg:$0x0] =	wrdreg $0xFFFFFFFF;
	(pc) =	sbr.abs _section_cstart, $3  }
0xc3: {  	[dreg:$0x1] =	wrdreg $0xFFFFFFFF  }
0xc4: {  	_ =	task.clear_ibuf [dreg:s9], $0x2FFFF;
	_ =	strace $0x9FFFFFFF  }
0xc5: {  	(tm) =	ssettm $0x7FFFFFFF  }
tec
execute0_lowered:
.L_overlay_start_1:
0x0: {  	(tag) =	ssettag $0x1  }
0x1: {  	s1 =	rddreg [dreg:$0x0]  }
0x2: {  	s2 =	srdreg.scid;
	s3 =	rddreg [dreg:$0x1]  }
0x3: {  	s0 =	stileid.u32;
	s4 =	rddreg [dreg:$0x2]  }
0x4: {  	s7 =	sand.u32 $0x1, s2;
	s19 =	sshll.u32 s0, $0x1;
	[dreg:$0x4] =	wrdreg s3  }
0x5: {  	s2 =	rddreg [dreg:$0x3];
	s3 =	simm.s32 $0x0;
	s5 =	sor.u32 s7, s19  }
0x6: {  	[smem:$0x7FF] =	sst s3;
	s9 =	smul.u32 $0xD, s5  }
0x7: {  	s8 =	smul.u32 $0x34000, s5;
	_ =	strace $0x80000047;
	s5 =	sshll.u32 s7, $0x9  }
0x8: {  	s7 =	ssub.s32 $0x2, s7;
	s6 =	sshrl.u32 s9, $0x4;
	s10 =	sadd.s32 $0x1, s9  }
0x9: {  	s15 =	sadd.s32 $0x2, s9;
	s19 =	sadd.s32 $0x3, s9;
	s28 =	sadd.s32 $0x4, s9  }
0xa: {  	s12 =	sshll.u32 s6, $0x12;
	s20 =	sand.u32 $0x10, s6;
	s21 =	sshll.u32 s10, $0xE  }
0xb: {  	s6 =	sand.u32 $0xF, s6;
	s8 =	ssub.s32 s8, s12;
	[dreg:$0x5] =	wrdreg s20  }
0xc: {  	s20 =	sshll.u32 s19, $0x9;
	v0 =	vmov s6;
	s6 =	simm.s32 $0x200;
	s13 =	sand.u32 $0xFFFF8000, s8  }
0xd: {  	s8 =	sshrl.u32 s10, $0x4;
	s10 =	sshll.u32 s10, $0x9;
	s20 =	sand.u32 $0x200, s20  }
0xe: {  	s11 =	sor.u32 s5, s13;
	s14 =	sshll.u32 s8, $0x12;
	s16 =	sand.u32 $0x200, s10  }
0xf: {  	s10 =	sshrl.u32 s15, $0x4;
	s22 =	sand.u32 $0x30, s8;
	s15 =	sshll.u32 s15, $0xE  }
0x10: {  	s12 =	sadd.s32 s12, s13;
	s8 =	sand.u32 $0xF, s8;
	[dreg:$0x6] =	wrdreg s11  }
0x11: {  	s11 =	ssub.s32 s21, s14;
	s18 =	sshll.u32 s10, $0x12;
	[dreg:$0x7] =	wrdreg s22  }
0x12: {  	s24 =	sand.u32 $0x30, s10;
	s12 =	sor.u32 s5, s12;
	s10 =	sand.u32 $0xF, s10  }
0x13: {  	v1 =	vmov s8;
	s8 =	simm.s32 $0x80;
	s17 =	sand.u32 $0xFFFF8000, s11;
	s15 =	ssub.s32 s15, s18  }
0x14: {  	[dreg:$0x9] =	wrdreg s24;
	s11 =	sshrl.u32 s19, $0x4;
	s19 =	sshll.u32 s19, $0xE  }
0x15: {  	s29 =	sshrl.u32 s12, $0x3;
	s12 =	sshrl.u32 s28, $0x4;
	v2 =	vmov s10;
	s10 =	simm.s32 $0x8080  }
0x16: {  	s23 =	sor.u32 s16, s17;
	s15 =	sand.u32 $0xFFFF8000, s15;
	s21 =	sshll.u32 s11, $0x12  }
0x17: {  	s22 =	sand.u32 $0x30, s11;
	s13 =	sadd.s32 s4, s29;
	s14 =	sadd.s32 s14, s17  }
0x18: {  	s31 =	sand.u32 $0x30, s12;
	s11 =	sand.u32 $0xF, s11;
	[dreg:$0x8] =	wrdreg s23  }
0x19: {  	s25 =	sor.u32 s5, s15;
	s19 =	ssub.s32 s19, s21;
	[dreg:$0xb] =	wrdreg s22  }
0x1a: {  	s23 =	sshll.u32 s12, $0x12;
	s22 =	sshll.u32 s28, $0xE;
	[dreg:$0xd] =	wrdreg s13  }
0x1b: {  	s14 =	sor.u32 s16, s14;
	[dreg:$0xe] =	wrdreg s31;
	s29 =	sadd.s32 s18, s15  }
0x1c: {  	s31 =	sadd.s32 $0x6, s9;
	s12 =	sand.u32 $0xF, s12;
	v3 =	vmov s11;
	s11 =	simm.s32 $0xC080  }
0x1d: {  	[dreg:$0xa] =	wrdreg s25;
	s19 =	sand.u32 $0xFFFF8000, s19;
	s30 =	ssub.s32 s22, s23  }
0x1e: {  	s14 =	sshrl.u32 s14, $0x3;
	s25 =	sadd.s32 $0x5, s9;
	s16 =	sshll.u32 s31, $0xE  }
0x1f: {  	v4 =	vmov s12;
	s12 =	simm.s32 $0x1;
	s26 =	sor.u32 s20, s19;
	s17 =	sand.u32 $0xFFFF8000, s30  }
0x20: {  	s24 =	sadd.s32 s4, s14;
	s13 =	sshrl.u32 s25, $0x4;
	[dreg:$0xc] =	wrdreg s26  }
0x21: {  	s14 =	sshll.u32 s25, $0xE;
	s22 =	sor.u32 s5, s17;
	[dreg:$0x10] =	wrdreg s24  }
0x22: {  	s26 =	sshll.u32 s25, $0x9;
	s28 =	sand.u32 $0x30, s13;
	[dreg:$0xf] =	wrdreg s22  }
0x23: {  	s22 =	sshll.u32 s13, $0x12;
	s24 =	sand.u32 $0x200, s26;
	s13 =	sand.u32 $0xF, s13  }
0x24: {  	[dreg:$0x11] =	wrdreg s28;
	s14 =	ssub.s32 s14, s22;
	v5 =	vmov s13;
	s13 =	simm.s32 $0x10080  }
0x25: {  	s25 =	sand.u32 $0xFFFF8000, s14;
	s14 =	sor.u32 s5, s29;
	s29 =	sadd.s32 s21, s19  }
0x26: {  	s21 =	sadd.s32 $0x7, s9;
	s30 =	sor.u32 s24, s25;
	s26 =	sshrl.u32 s14, $0x3  }
0x27: {  	s14 =	sshrl.u32 s31, $0x4;
	[dreg:$0x12] =	wrdreg s30;
	s15 =	sadd.s32 s4, s26  }
0x28: {  	s18 =	sshll.u32 s14, $0x12;
	s30 =	sand.u32 $0x30, s14;
	s14 =	sand.u32 $0xF, s14  }
0x29: {  	[dreg:$0x13] =	wrdreg s15;
	s28 =	ssub.s32 s16, s18;
	s16 =	sor.u32 s20, s29  }
0x2a: {  	[dreg:$0x14] =	wrdreg s30;
	s15 =	sshrl.u32 s21, $0x4;
	s29 =	sadd.s32 s23, s17  }
0x2b: {  	v6 =	vmov s14;
	s14 =	simm.s32 $0x2;
	s19 =	sand.u32 $0xFFFF8000, s28;
	s26 =	sand.u32 $0x30, s15  }
0x2c: {  	s16 =	sshrl.u32 s16, $0x3;
	s31 =	sor.u32 s5, s19;
	[dreg:$0x17] =	wrdreg s26  }
0x2d: {  	s28 =	sshll.u32 s21, $0xE;
	s20 =	sadd.s32 s4, s16;
	[dreg:$0x15] =	wrdreg s31  }
0x2e: {  	s16 =	sshll.u32 s21, $0x9;
	s18 =	sadd.s32 s18, s19;
	[dreg:$0x16] =	wrdreg s20  }
0x2f: {  	s20 =	sshll.u32 s15, $0x12;
	s26 =	sand.u32 $0x200, s16;
	s16 =	sor.u32 s5, s29  }
0x30: {  	s31 =	sadd.s32 $0x8, s9;
	s29 =	sadd.s32 s22, s25;
	s25 =	sadd.s32 $0x9, s9  }
0x31: {  	s18 =	sor.u32 s5, s18;
	s15 =	sand.u32 $0xF, s15;
	s21 =	ssub.s32 s28, s20  }
0x32: {  	s28 =	sshrl.u32 s16, $0x3;
	s16 =	sshrl.u32 s31, $0x4;
	s23 =	sshll.u32 s31, $0xE  }
0x33: {  	s18 =	sshrl.u32 s18, $0x3;
	v7 =	vmov s15;
	s15 =	simm.s32 $0x14080;
	s21 =	sand.u32 $0xFFFF8000, s21  }
0x34: {  	s17 =	sadd.s32 s4, s28;
	s28 =	sshll.u32 s16, $0x12;
	s31 =	sand.u32 $0x30, s16  }
0x35: {  	s18 =	sadd.s32 s4, s18;
	s16 =	sand.u32 $0xF, s16;
	[dreg:$0x19] =	wrdreg s17  }
0x36: {  	s30 =	sor.u32 s26, s21;
	s17 =	sor.u32 s24, s29;
	[dreg:$0x1a] =	wrdreg s31  }
0x37: {  	s31 =	sadd.s32 $0xA, s9;
	[dreg:$0x1f] =	wrdreg s18;
	s21 =	sadd.s32 s20, s21  }
0x38: {  	v8 =	vmov s16;
	s16 =	simm.s32 $0x3;
	[dreg:$0x18] =	wrdreg s30;
	s30 =	ssub.s32 s23, s28  }
0x39: {  	s17 =	sshrl.u32 s17, $0x3;
	s23 =	sshll.u32 s25, $0x9;
	s18 =	sor.u32 s26, s21  }
0x3a: {  	s22 =	sand.u32 $0xFFFF8000, s30;
	s17 =	sadd.s32 s4, s17;
	s30 =	sshll.u32 s25, $0xE  }
0x3b: {  	s19 =	sand.u32 $0x200, s23;
	s18 =	sshrl.u32 s18, $0x3;
	s24 =	sor.u32 s5, s22  }
0x3c: {  	[dreg:$0x1c] =	wrdreg s17;
	s17 =	sshrl.u32 s25, $0x4;
	s18 =	sadd.s32 s4, s18  }
0x3d: {  	s22 =	sadd.s32 s28, s22;
	[dreg:$0x1b] =	wrdreg s24;
	s24 =	sshll.u32 s17, $0x12  }
0x3e: {  	s29 =	sand.u32 $0x30, s17;
	[smem:$0x7F4] =	sst s18;
	s22 =	sor.u32 s5, s22  }
0x3f: {  	s17 =	sand.u32 $0xF, s17;
	[dreg:$0x1d] =	wrdreg s29;
	s25 =	ssub.s32 s30, s24  }
0x40: {  	s29 =	sshll.u32 s31, $0xE;
	s22 =	sshrl.u32 s22, $0x3;
	s23 =	sand.u32 $0xFFFF8000, s25  }
0x41: {  	v9 =	vmov s17;
	s17 =	simm.s32 $0x7;
	s22 =	sadd.s32 s4, s22;
	s25 =	sor.u32 s19, s23  }
0x42: {  	[smem:$0x7F7] =	sst s22;
	s23 =	sadd.s32 s24, s23;
	s24 =	sshrl.u32 s7, $0x1  }
0x43: {  	[dreg:$0x1e] =	wrdreg s25;
	s25 =	sshrl.u32 s31, $0x4;
	s19 =	sor.u32 s19, s23  }
0x44: {  	s7 =	ssub.s32 s7, s24;
	s23 =	simm.s32 $0xA;
	s30 =	sshll.u32 s25, $0x12  }
0x45: {  	s31 =	sand.u32 $0x30, s25;
	s19 =	sshrl.u32 s19, $0x3;
	s25 =	sand.u32 $0xF, s25  }
0x46: {  	s29 =	ssub.s32 s29, s30;
	[smem:$0x7F2] =	sst s31;
	s19 =	sadd.s32 s4, s19  }
0x47: {  	v12 =	vmov s25;
	s25 =	simm.s32 $0xC;
	s20 =	sand.u32 $0xFFFF8000, s29;
	s29 =	sadd.s32 $0xB, s9  }
0x48: {  	s9 =	sadd.s32 $0xC, s9;
	[smem:$0x7FA] =	sst s19;
	s26 =	sor.u32 s5, s20  }
0x49: {  	s18 =	sshrl.u32 s29, $0x4;
	s31 =	sshll.u32 s29, $0x9;
	s21 =	sshll.u32 s29, $0xE  }
0x4a: {  	s22 =	sshrl.u32 s9, $0x4;
	s9 =	sshll.u32 s9, $0xE;
	s24 =	sadd.s32 s30, s20  }
0x4b: {  	s20 =	simm.s32 $0x5;
	[smem:$0x7F3] =	sst s26;
	s29 =	sshll.u32 s18, $0x12  }
0x4c: {  	s26 =	sand.u32 $0x200, s31;
	s31 =	sand.u32 $0x30, s18;
	s28 =	sshll.u32 s22, $0x12  }
0x4d: {  	s19 =	sor.u32 s5, s24;
	s18 =	sand.u32 $0xF, s18;
	s24 =	simm.s32 $0xB  }
0x4e: {  	s21 =	ssub.s32 s21, s29;
	[smem:$0x7F5] =	sst s31;
	s9 =	ssub.s32 s9, s28  }
0x4f: {  	s19 =	sshrl.u32 s19, $0x3;
	v13 =	vmov s18;
	s18 =	simm.s32 $0x4;
	s21 =	sand.u32 $0xFFFF8000, s21  }
0x50: {  	s9 =	sand.u32 $0xFFFF8000, s9;
	s19 =	sadd.s32 s4, s19;
	s31 =	sor.u32 s26, s21  }
0x51: {  	s21 =	sadd.s32 s29, s21;
	[smem:$0x7FB] =	sst s19;
	s19 =	simm.s32 $0x8  }
0x52: {  	[smem:$0x7F6] =	sst s31;
	s31 =	sand.u32 $0x30, s22;
	s21 =	sor.u32 s26, s21  }
0x53: {  	v11 =	vlaneseq.u32;
	[smem:$0x7F8] =	sst s31;
	s31 =	sor.u32 s5, s9;
	s9 =	sadd.s32 s28, s9  }
0x54: {  	vm12 =	veq.s32 v0, v11;
	vm11 =	veq.s32 v1, v11;
	s21 =	sshrl.u32 s21, $0x3;
	[smem:$0x7F9] =	sst s31;
	s5 =	sor.u32 s5, s9  }
0x55: {  	vm10 =	veq.s32 v2, v11;
	vm9 =	veq.s32 v3, v11;
	vm8 =	veq.s32 v4, v11;
	s30 =	sadd.s32 s4, s21;
	s31 =	sand.u32 $0xF, s22;
	s9 =	simm.s32 $0x4080  }
0x56: {  	vm7 =	veq.s32 v5, v11;
	vm6 =	veq.s32 v6, v11;
	vm5 =	veq.s32 v7, v11;
	s21 =	simm.s32 $0x9;
	s22 =	simm.s32 $0x6;
	s5 =	sshrl.u32 s5, $0x3  }
0x57: {  	vm4 =	veq.s32 v8, v11;
	vm3 =	veq.s32 v9, v11;
	[smem:$0x7FC] =	sst s30;
	v10 =	vmov s31;
	s4 =	sadd.s32 s4, s5;
	s5 =	simm.s32 $0xD  }
0x58: {  	vm2 =	veq.s32 v12, v11;
	vm1 =	veq.s32 v13, v11;
	vm0 =	veq.s32 v10, v11;
	[smem:$0x7FD] =	sst s4;
	s4 =	smax.u32 s7, $0x1;
	s7 =	simm.s32 $0x400  }
.LBB2_1:
0x59: {  	s26 =	rddreg [dreg:$0x4]  }
0x5a: {  	[tilespmem:s3], [sflag:$0xD] =	stream.linear.gather [hbm4b:s26+s3], $0x1A, $0x38;
	[tilespmem:$0x18080] =	vst v63  }
0x5b: {  	_ =	swait.ge [sflag:s5], $0x1A  }
0x5c: {  	[sflag:s5] =	ssyncset.done $0x0  }
0x5d: {  	s28 =	rddreg [dreg:$0x5];
	[sflag:s5] =	ssyncadd.s32 $0xFFFFFFE6  }
0x5e: {  	v0 =	vld [tilespmem:s28+$0x0];
	_ =	sdelay $0x4  }
0x5f: {  	v0 =	vnsel vm12, $0x0, v0  }
0x60: {  	(xrf0) =	vadd.scan.msk.s32 $0xffff, v0;
	_ =	sdelay $0x5  }
0x61: {  	v0, _, _ =	vpop (xrf0)  }
0x62: {  	(v2sf) =	vpush v0, $0xF;
	_ =	sdelay $0xe  }
0x63: {  	s28 =	spop (v2sf)  }
0x64: {  	s29 =	rddreg [dreg:$0x6];
	s28 =	sshll.u32 s28, $0x12  }
0x65: {  	s26 =	sadd.s32 s29, s28  }
0x66: {  	s26 =	sshrl.u32 s26, $0x3  }
0x67: {  	s30 =	rddreg [dreg:$0x7];
	s26 =	sadd.s32 s1, s26  }
0x68: {  	[tilespmem:s8], [sflag:$0x1] =	stream.strided.gather [hbm4b:s26+s6], $0x4000, s7, s6, $0x38;
	[tilespmem:$0x18080] =	vst v63  }
0x69: {  	v52 =	vld [tilespmem:s30+$0x0];
	_ =	sdelay $0x4  }
0x6a: {  	v0 =	vnsel vm11, $0x0, v52  }
0x6b: {  	(xrf0) =	vadd.scan.msk.s32 $0xffff, v0;
	_ =	sdelay $0x5  }
0x6c: {  	v0, _, _ =	vpop (xrf0)  }
0x6d: {  	(v2sf) =	vpush v0, $0xF;
	_ =	sdelay $0xe  }
0x6e: {  	s29 =	spop (v2sf)  }
0x6f: {  	s31 =	rddreg [dreg:$0x8];
	s28 =	sshll.u32 s29, $0x12  }
0x70: {  	s26 =	sadd.s32 s31, s28  }
0x71: {  	s26 =	sshrl.u32 s26, $0x3  }
0x72: {  	s30 =	rddreg [dreg:$0x9];
	s26 =	sadd.s32 s1, s26  }
0x73: {  	[tilespmem:s9], [sflag:$0x2] =	stream.strided.gather [hbm4b:s26+s6], $0x4000, s7, s6, $0x38;
	[tilespmem:$0x18080] =	vst v63  }
0x74: {  	v53 =	vld [tilespmem:s30+$0x0];
	_ =	sdelay $0x4  }
0x75: {  	v0 =	vnsel vm10, $0x0, v53  }
0x76: {  	(xrf0) =	vadd.scan.msk.s32 $0xffff, v0;
	_ =	sdelay $0x5  }
0x77: {  	v0, _, _ =	vpop (xrf0)  }
0x78: {  	(v2sf) =	vpush v0, $0xF;
	_ =	sdelay $0xe  }
0x79: {  	s29 =	spop (v2sf)  }
0x7a: {  	s31 =	rddreg [dreg:$0xa];
	s28 =	sshll.u32 s29, $0x12  }
0x7b: {  	s26 =	sadd.s32 s31, s28  }
0x7c: {  	s26 =	sshrl.u32 s26, $0x3  }
0x7d: {  	s30 =	rddreg [dreg:$0xb];
	s26 =	sadd.s32 s1, s26  }
0x7e: {  	[tilespmem:s10], [sflag:$0x3] =	stream.strided.gather [hbm4b:s26+s6], $0x4000, s7, s6, $0x38;
	[tilespmem:$0x18080] =	vst v63  }
0x7f: {  	v54 =	vld [tilespmem:s30+$0x0];
	_ =	sdelay $0x4  }
0x80: {  	v0 =	vnsel vm9, $0x0, v54  }
0x81: {  	(xrf0) =	vadd.scan.msk.s32 $0xffff, v0;
	_ =	sdelay $0x5  }
0x82: {  	v0, _, _ =	vpop (xrf0)  }
0x83: {  	(v2sf) =	vpush v0, $0xF;
	_ =	sdelay $0xe  }
0x84: {  	s29 =	spop (v2sf)  }
0x85: {  	s31 =	rddreg [dreg:$0xc];
	s28 =	sshll.u32 s29, $0x12  }
0x86: {  	s26 =	sadd.s32 s31, s28  }
0x87: {  	s26 =	sshrl.u32 s26, $0x3  }
0x88: {  	s26 =	sadd.s32 s1, s26  }
0x89: {  	[tilespmem:s11], [sflag:$0x4] =	stream.strided.gather [hbm4b:s26+s6], $0x4000, s7, s6, $0x38;
	[tilespmem:$0x18080] =	vst v63  }
0x8a: {  	_ =	swait.ge [sflag:s12], $0x4000  }
0x8b: {  	s30 =	rddreg [dreg:$0xd];
	[sflag:s12] =	ssyncset.done $0x0  }
0x8c: {  	s31 =	rddreg [dreg:$0xe];
	[sflag:s12] =	ssyncadd.s32 $0xFFFFC000  }
0x8d: {  	[hbm4b:s30+s6] =	stream.strided.scatter [tilespmem:s8], [sflag:$0x7], $0x4000, s7, s6, $0x38;
	[tilespmem:$0x18080] =	vst v63  }
0x8e: {  	v55 =	vld [tilespmem:s31+$0x0];
	_ =	sdelay $0x4  }
0x8f: {  	v0 =	vnsel vm8, $0x0, v55  }
0x90: {  	(xrf0) =	vadd.scan.msk.s32 $0xffff, v0;
	_ =	sdelay $0x5  }
0x91: {  	v0, _, _ =	vpop (xrf0)  }
0x92: {  	(v2sf) =	vpush v0, $0xF;
	_ =	sdelay $0xe  }
0x93: {  	s30 =	spop (v2sf)  }
0x94: {  	s29 =	rddreg [dreg:$0xf];
	s28 =	sshll.u32 s30, $0x12  }
0x95: {  	s26 =	sadd.s32 s29, s28  }
0x96: {  	s26 =	sshrl.u32 s26, $0x3  }
0x97: {  	s26 =	sadd.s32 s1, s26  }
0x98: {  	[tilespmem:s13], [sflag:$0x5] =	stream.strided.gather [hbm4b:s26+s6], $0x4000, s7, s6, $0x38;
	[tilespmem:$0x18080] =	vst v63  }
0x99: {  	_ =	swait.ge [sflag:s14], $0x4000  }
0x9a: {  	s31 =	rddreg [dreg:$0x10];
	[sflag:s14] =	ssyncset.done $0x0  }
0x9b: {  	s29 =	rddreg [dreg:$0x11];
	[sflag:s14] =	ssyncadd.s32 $0xFFFFC000  }
0x9c: {  	[hbm4b:s31+s6] =	stream.strided.scatter [tilespmem:s9], [sflag:$0x8], $0x4000, s7, s6, $0x38;
	[tilespmem:$0x18080] =	vst v63  }
0x9d: {  	v56 =	vld [tilespmem:s29+$0x0];
	_ =	sdelay $0x4  }
0x9e: {  	v0 =	vnsel vm7, $0x0, v56  }
0x9f: {  	(xrf0) =	vadd.scan.msk.s32 $0xffff, v0;
	_ =	sdelay $0x5  }
0xa0: {  	v0, _, _ =	vpop (xrf0)  }
0xa1: {  	(v2sf) =	vpush v0, $0xF;
	_ =	sdelay $0xe  }
0xa2: {  	s31 =	spop (v2sf)  }
0xa3: {  	s30 =	rddreg [dreg:$0x12];
	s28 =	sshll.u32 s31, $0x12  }
0xa4: {  	s26 =	sadd.s32 s30, s28  }
0xa5: {  	s26 =	sshrl.u32 s26, $0x3  }
0xa6: {  	s26 =	sadd.s32 s1, s26  }
0xa7: {  	[tilespmem:s15], [sflag:$0x6] =	stream.strided.gather [hbm4b:s26+s6], $0x4000, s7, s6, $0x38;
	[tilespmem:$0x18080] =	vst v63  }
0xa8: {  	_ =	swait.ge [sflag:s16], $0x4000  }
0xa9: {  	[sflag:s16] =	ssyncset.done $0x0  }
0xaa: {  	s28 =	rddreg [dreg:$0x13];
	[sflag:s16] =	ssyncadd.s32 $0xFFFFC000  }
0xab: {  	[hbm4b:s28+s6] =	stream.strided.scatter [tilespmem:s10], [sflag:$0x9], $0x4000, s7, s6, $0x38;
	[tilespmem:$0x18080] =	vst v63  }
0xac: {  	_ =	swait.ge [sflag:s17], $0x4000  }
0xad: {  	[sflag:s17] =	ssyncset.done $0x0  }
0xae: {  	s29 =	rddreg [dreg:$0x14];
	[sflag:s17] =	ssyncadd.s32 $0xFFFFC000  }
0xaf: {  	v57 =	vld [tilespmem:s29+$0x0];
	_ =	sdelay $0x4  }
0xb0: {  	v0 =	vnsel vm6, $0x0, v57  }
0xb1: {  	(xrf0) =	vadd.scan.msk.s32 $0xffff, v0;
	_ =	sdelay $0x5  }
0xb2: {  	v0, _, _ =	vpop (xrf0)  }
0xb3: {  	(v2sf) =	vpush v0, $0xF;
	_ =	sdelay $0xe  }
0xb4: {  	s31 =	spop (v2sf)  }
0xb5: {  	s30 =	rddreg [dreg:$0x15];
	s28 =	sshll.u32 s31, $0x12  }
0xb6: {  	s26 =	sadd.s32 s30, s28  }
0xb7: {  	s26 =	sshrl.u32 s26, $0x3  }
0xb8: {  	s26 =	sadd.s32 s1, s26  }
0xb9: {  	[tilespmem:s8], [sflag:$0x1] =	stream.strided.gather [hbm4b:s26+s6], $0x4000, s7, s6, $0x38;
	[tilespmem:$0x18080] =	vst v63  }
0xba: {  	_ =	swait.ge [sflag:s18], $0x4000  }
0xbb: {  	[sflag:s18] =	ssyncset.done $0x0  }
0xbc: {  	s28 =	rddreg [dreg:$0x16];
	[sflag:s18] =	ssyncadd.s32 $0xFFFFC000  }
0xbd: {  	[hbm4b:s28+s6] =	stream.strided.scatter [tilespmem:s11], [sflag:$0xA], $0x4000, s7, s6, $0x38;
	[tilespmem:$0x18080] =	vst v63  }
0xbe: {  	_ =	swait.ge [sflag:s19], $0x4000  }
0xbf: {  	[sflag:s19] =	ssyncset.done $0x0  }
0xc0: {  	s29 =	rddreg [dreg:$0x17];
	[sflag:s19] =	ssyncadd.s32 $0xFFFFC000  }
0xc1: {  	v58 =	vld [tilespmem:s29+$0x0];
	_ =	sdelay $0x4  }
0xc2: {  	v0 =	vnsel vm5, $0x0, v58  }
0xc3: {  	(xrf0) =	vadd.scan.msk.s32 $0xffff, v0;
	_ =	sdelay $0x5  }
0xc4: {  	v0, _, _ =	vpop (xrf0)  }
0xc5: {  	(v2sf) =	vpush v0, $0xF;
	_ =	sdelay $0xe  }
0xc6: {  	s31 =	spop (v2sf)  }
0xc7: {  	s30 =	rddreg [dreg:$0x18];
	s28 =	sshll.u32 s31, $0x12  }
0xc8: {  	s26 =	sadd.s32 s30, s28  }
0xc9: {  	s26 =	sshrl.u32 s26, $0x3  }
0xca: {  	s26 =	sadd.s32 s1, s26  }
0xcb: {  	[tilespmem:s9], [sflag:$0x2] =	stream.strided.gather [hbm4b:s26+s6], $0x4000, s7, s6, $0x38;
	[tilespmem:$0x18080] =	vst v63  }
0xcc: {  	_ =	swait.ge [sflag:s20], $0x4000  }
0xcd: {  	[sflag:s20] =	ssyncset.done $0x0  }
0xce: {  	s28 =	rddreg [dreg:$0x19];
	[sflag:s20] =	ssyncadd.s32 $0xFFFFC000  }
0xcf: {  	[hbm4b:s28+s6] =	stream.strided.scatter [tilespmem:s13], [sflag:$0xB], $0x4000, s7, s6, $0x38;
	[tilespmem:$0x18080] =	vst v63  }
0xd0: {  	_ =	swait.ge [sflag:s21], $0x4000  }
0xd1: {  	[sflag:s21] =	ssyncset.done $0x0  }
0xd2: {  	s29 =	rddreg [dreg:$0x1a];
	[sflag:s21] =	ssyncadd.s32 $0xFFFFC000  }
0xd3: {  	v59 =	vld [tilespmem:s29+$0x0];
	_ =	sdelay $0x4  }
0xd4: {  	v0 =	vnsel vm4, $0x0, v59  }
0xd5: {  	(xrf0) =	vadd.scan.msk.s32 $0xffff, v0;
	_ =	sdelay $0x5  }
0xd6: {  	v0, _, _ =	vpop (xrf0)  }
0xd7: {  	(v2sf) =	vpush v0, $0xF;
	_ =	sdelay $0xe  }
0xd8: {  	s31 =	spop (v2sf)  }
0xd9: {  	s30 =	rddreg [dreg:$0x1b];
	s28 =	sshll.u32 s31, $0x12  }
0xda: {  	s26 =	sadd.s32 s30, s28  }
0xdb: {  	s26 =	sshrl.u32 s26, $0x3  }
0xdc: {  	s26 =	sadd.s32 s1, s26  }
0xdd: {  	[tilespmem:s10], [sflag:$0x3] =	stream.strided.gather [hbm4b:s26+s6], $0x4000, s7, s6, $0x38;
	[tilespmem:$0x18080] =	vst v63  }
0xde: {  	_ =	swait.ge [sflag:s22], $0x4000  }
0xdf: {  	[sflag:s22] =	ssyncset.done $0x0  }
0xe0: {  	s28 =	rddreg [dreg:$0x1c];
	[sflag:s22] =	ssyncadd.s32 $0xFFFFC000  }
0xe1: {  	[hbm4b:s28+s6] =	stream.strided.scatter [tilespmem:s15], [sflag:$0xC], $0x4000, s7, s6, $0x38;
	[tilespmem:$0x18080] =	vst v63  }
0xe2: {  	_ =	swait.ge [sflag:s23], $0x4000  }
0xe3: {  	[sflag:s23] =	ssyncset.done $0x0  }
0xe4: {  	s29 =	rddreg [dreg:$0x1d];
	[sflag:s23] =	ssyncadd.s32 $0xFFFFC000  }
0xe5: {  	v60 =	vld [tilespmem:s29+$0x0];
	_ =	sdelay $0x4  }
0xe6: {  	v0 =	vnsel vm3, $0x0, v60  }
0xe7: {  	(xrf0) =	vadd.scan.msk.s32 $0xffff, v0;
	_ =	sdelay $0x5  }
0xe8: {  	v0, _, _ =	vpop (xrf0)  }
0xe9: {  	(v2sf) =	vpush v0, $0xF;
	_ =	sdelay $0xe  }
0xea: {  	s31 =	spop (v2sf)  }
0xeb: {  	s30 =	rddreg [dreg:$0x1e];
	s28 =	sshll.u32 s31, $0x12  }
0xec: {  	s26 =	sadd.s32 s30, s28  }
0xed: {  	s26 =	sshrl.u32 s26, $0x3  }
0xee: {  	s26 =	sadd.s32 s1, s26  }
0xef: {  	[tilespmem:s11], [sflag:$0x4] =	stream.strided.gather [hbm4b:s26+s6], $0x4000, s7, s6, $0x38;
	[tilespmem:$0x18080] =	vst v63  }
0xf0: {  	_ =	swait.ge [sflag:s12], $0x4000  }
0xf1: {  	[sflag:s12] =	ssyncset.done $0x0  }
0xf2: {  	s28 =	rddreg [dreg:$0x1f];
	[sflag:s12] =	ssyncadd.s32 $0xFFFFC000  }
0xf3: {  	[hbm4b:s28+s6] =	stream.strided.scatter [tilespmem:s8], [sflag:$0x7], $0x4000, s7, s6, $0x38;
	[tilespmem:$0x18080] =	vst v63  }
0xf4: {  	_ =	swait.ge [sflag:s24], $0x4000  }
0xf5: {  	s29 =	sld [smem:$0x7F2]  }
0xf6: {  	[sflag:s24] =	ssyncset.done $0x0  }
0xf7: {  	[sflag:s24] =	ssyncadd.s32 $0xFFFFC000  }
0xf8: {  	v61 =	vld [tilespmem:s29+$0x0];
	_ =	sdelay $0x4  }
0xf9: {  	v0 =	vnsel vm2, $0x0, v61  }
0xfa: {  	(xrf0) =	vadd.scan.msk.s32 $0xffff, v0;
	_ =	sdelay $0x5  }
0xfb: {  	v0, _, _ =	vpop (xrf0)  }
0xfc: {  	(v2sf) =	vpush v0, $0xF;
	_ =	sdelay $0xd  }
0xfd: {  	s30 =	sld [smem:$0x7F3]  }
0xfe: {  	s31 =	spop (v2sf)  }
0xff: {  	s28 =	sshll.u32 s31, $0x12  }
0x100: {  	s26 =	sadd.s32 s30, s28  }
0x101: {  	s26 =	sshrl.u32 s26, $0x3  }
0x102: {  	s26 =	sadd.s32 s1, s26  }
0x103: {  	[tilespmem:s13], [sflag:$0x5] =	stream.strided.gather [hbm4b:s26+s6], $0x4000, s7, s6, $0x38;
	[tilespmem:$0x18080] =	vst v63  }
0x104: {  	_ =	swait.ge [sflag:s14], $0x4000  }
0x105: {  	s28 =	sld [smem:$0x7F4]  }
0x106: {  	[sflag:s14] =	ssyncset.done $0x0  }
0x107: {  	[sflag:s14] =	ssyncadd.s32 $0xFFFFC000  }
0x108: {  	[hbm4b:s28+s6] =	stream.strided.scatter [tilespmem:s9], [sflag:$0x8], $0x4000, s7, s6, $0x38;
	[tilespmem:$0x18080] =	vst v63  }
0x109: {  	_ =	swait.ge [sflag:s25], $0x4000  }
0x10a: {  	s29 =	sld [smem:$0x7F5]  }
0x10b: {  	[sflag:s25] =	ssyncset.done $0x0  }
0x10c: {  	[sflag:s25] =	ssyncadd.s32 $0xFFFFC000  }
0x10d: {  	v62 =	vld [tilespmem:s29+$0x0];
	_ =	sdelay $0x4  }
0x10e: {  	v0 =	vnsel vm1, $0x0, v62  }
0x10f: {  	(xrf0) =	vadd.scan.msk.s32 $0xffff, v0;
	_ =	sdelay $0x5  }
0x110: {  	v0, _, _ =	vpop (xrf0)  }
0x111: {  	(v2sf) =	vpush v0, $0xF;
	_ =	sdelay $0xd  }
0x112: {  	s30 =	sld [smem:$0x7F6]  }
0x113: {  	s31 =	spop (v2sf)  }
0x114: {  	s28 =	sshll.u32 s31, $0x12  }
0x115: {  	s26 =	sadd.s32 s30, s28  }
0x116: {  	s26 =	sshrl.u32 s26, $0x3  }
0x117: {  	s26 =	sadd.s32 s1, s26  }
0x118: {  	[tilespmem:s15], [sflag:$0x6] =	stream.strided.gather [hbm4b:s26+s6], $0x4000, s7, s6, $0x38;
	[tilespmem:$0x18080] =	vst v63  }
0x119: {  	_ =	swait.ge [sflag:s16], $0x4000  }
0x11a: {  	s28 =	sld [smem:$0x7F7]  }
0x11b: {  	[sflag:s16] =	ssyncset.done $0x0  }
0x11c: {  	[sflag:s16] =	ssyncadd.s32 $0xFFFFC000  }
0x11d: {  	[hbm4b:s28+s6] =	stream.strided.scatter [tilespmem:s10], [sflag:$0x9], $0x4000, s7, s6, $0x38;
	[tilespmem:$0x18080] =	vst v63  }
0x11e: {  	_ =	swait.ge [sflag:s17], $0x4000  }
0x11f: {  	s29 =	sld [smem:$0x7F8]  }
0x120: {  	[sflag:s17] =	ssyncset.done $0x0  }
0x121: {  	[sflag:s17] =	ssyncadd.s32 $0xFFFFC000  }
0x122: {  	v63 =	vld [tilespmem:s29+$0x0];
	_ =	sdelay $0x4  }
0x123: {  	v0 =	vnsel vm0, $0x0, v63  }
0x124: {  	(xrf0) =	vadd.scan.msk.s32 $0xffff, v0;
	_ =	sdelay $0x5  }
0x125: {  	v0, _, _ =	vpop (xrf0)  }
0x126: {  	(v2sf) =	vpush v0, $0xF;
	_ =	sdelay $0xd  }
0x127: {  	s30 =	sld [smem:$0x7F9]  }
0x128: {  	s31 =	spop (v2sf)  }
0x129: {  	s28 =	sshll.u32 s31, $0x12  }
0x12a: {  	s26 =	sadd.s32 s30, s28  }
0x12b: {  	s26 =	sshrl.u32 s26, $0x3  }
0x12c: {  	s26 =	sadd.s32 s1, s26  }
0x12d: {  	[tilespmem:s8], [sflag:$0x1] =	stream.strided.gather [hbm4b:s26+s6], $0x4000, s7, s6, $0x38;
	[tilespmem:$0x18080] =	vst v63  }
0x12e: {  	_ =	swait.ge [sflag:s18], $0x4000  }
0x12f: {  	s28 =	sld [smem:$0x7FA]  }
0x130: {  	[sflag:s18] =	ssyncset.done $0x0  }
0x131: {  	[sflag:s18] =	ssyncadd.s32 $0xFFFFC000  }
0x132: {  	[hbm4b:s28+s6] =	stream.strided.scatter [tilespmem:s11], [sflag:$0xA], $0x4000, s7, s6, $0x38;
	[tilespmem:$0x18080] =	vst v63  }
0x133: {  	_ =	swait.ge [sflag:s20], $0x4000  }
0x134: {  	s29 =	sld [smem:$0x7FB]  }
0x135: {  	[sflag:s20] =	ssyncset.done $0x0  }
0x136: {  	[sflag:s20] =	ssyncadd.s32 $0xFFFFC000  }
0x137: {  	[hbm4b:s29+s6] =	stream.strided.scatter [tilespmem:s13], [sflag:$0xB], $0x4000, s7, s6, $0x38;
	[tilespmem:$0x18080] =	vst v63  }
0x138: {  	_ =	swait.ge [sflag:s22], $0x4000  }
0x139: {  	s30 =	sld [smem:$0x7FC]  }
0x13a: {  	[sflag:s22] =	ssyncset.done $0x0  }
0x13b: {  	[sflag:s22] =	ssyncadd.s32 $0xFFFFC000  }
0x13c: {  	[hbm4b:s30+s6] =	stream.strided.scatter [tilespmem:s15], [sflag:$0xC], $0x4000, s7, s6, $0x38;
	[tilespmem:$0x18080] =	vst v63  }
0x13d: {  	_ =	swait.ge [sflag:s12], $0x4000  }
0x13e: {  	s31 =	sld [smem:$0x7FD]  }
0x13f: {  	[sflag:s12] =	ssyncset.done $0x0  }
0x140: {  	[sflag:s12] =	ssyncadd.s32 $0xFFFFC000  }
0x141: {  	[hbm4b:s31+s6] =	stream.strided.scatter [tilespmem:s8], [sflag:$0x7], $0x4000, s7, s6, $0x38;
	[tilespmem:$0x18080] =	vst v63  }
0x142: {  	_ =	swait.ge [sflag:s19], $0x4000  }
0x143: {  	[sflag:s19] =	ssyncset.done $0x0  }
0x144: {  	[sflag:s19] =	ssyncadd.s32 $0xFFFFC000  }
0x145: {  	_ =	swait.ge [sflag:s21], $0x4000  }
0x146: {  	[sflag:s21] =	ssyncset.done $0x0  }
0x147: {  	[sflag:s21] =	ssyncadd.s32 $0xFFFFC000  }
0x148: {  	_ =	swait.ge [sflag:s23], $0x4000  }
0x149: {  	[sflag:s23] =	ssyncset.done $0x0  }
0x14a: {  	[sflag:s23] =	ssyncadd.s32 $0xFFFFC000  }
0x14b: {  	_ =	swait.ge [sflag:s24], $0x4000  }
0x14c: {  	[sflag:s24] =	ssyncset.done $0x0  }
0x14d: {  	[sflag:s24] =	ssyncadd.s32 $0xFFFFC000  }
0x14e: {  	p0 =	sne.s32 s4, $0x1;
	_ =	swait.ge [sflag:s25], $0x4000  }
.Ltmp0:
0x14f: {  	[sflag:s25] =	ssyncset.done $0x0;
	(pc) =	sbr.rel @p0 .LBB2_1-.Ltmp0, $4  }
0x150: {  	[sflag:s25] =	ssyncadd.s32 $0xFFFFC000  }
0x151: {  	_ =	swait.ge [sflag:s17], $0x4000  }
0x152: {  	[sflag:s17] =	ssyncset.done $0x0  }
0x153: {  	s4 =	sadd.s32 $0xFFFFFFFF, s4;
	[sflag:s17] =	ssyncadd.s32 $0xFFFFC000  }
0x154: {  	_ =	sfence.sel $0x180000  }
0x155: {  	[bflag:$0x0] =	sbarrier.arrive $0xFFFF  }
0x156: {  	p0 =	sne.s32 s0, $0x0;
	_ =	strace $0x90000047  }
0x157: {  	s0 =	sadd.s32 @!p0 $0x100000, s2;
	[bflag:$0x2] =	sbarrier.arrive $0xFFFF  }
0x158: {  	[sflag:s0] =	ssyncadd.tile.s32 @!p0 $0x1;
	_ =	shalt  }
.Lfunc_end2:
_tile_overlayer_lowered:
.L_overlay_start_2:
0x159: {  	(tag) =	ssettag $0x2  }
0x15a: {  	s0 =	rddreg [dreg:$0x0];
	s2 =	stileid.u32  }
0x15b: {  	s1 =	rddreg [dreg:$0x1];
	p0 =	sne.s32 s2, $0x0  }
0x15c: {  	s3 =	rddreg [dreg:$0x2];
	[bflag:$0x3] =	sbarrier.arrive $0xFFFF;
	s2 =	simm.s32 @!p0 $0x1C0D  }
0x15d: {  	[timem:s3], [sflag:s2] =	dma.local @!p0 [hbm:s0], s1  }
0x15e: {  	s0 =	simm.s32 @!p0 $0xD  }
0x15f: {  	_ =	swait.ge @!p0 [sflag:s0], s1  }
0x160: {  	s1 =	ssub.s32 @!p0 $0x0, s1;
	[sflag:s0] =	ssyncset.done @!p0 $0x0  }
0x161: {  	[sflag:s0] =	ssyncadd.s32 @!p0 s1  }
0x162: {  	[bflag:$0x3] =	sbarrier.arrive $0xFFFF  }
0x163: {  	_ =	shalt  }

</sc_bundles>
